<compile_context>
chip_gen: v7x
topology: tpu7x:2x2x1
jax: 0.10.2.dev20260603
libtpu: 0.0.44.dev20260713+nightly
codegen_flags: <defaults>
</compile_context>

<pallas_src>
import functools

import jax
import jax.numpy as jnp
from jax import lax
from jax.experimental import pallas as pl
from jax.experimental.pallas import tpu as pltpu
from jax.experimental.pallas import tpu_sc as plsc

BATCH = 16384
EMBED_DIM = 32
ROWS_PER_128 = 128 // EMBED_DIM
NUM_CORES = 2
NUM_SUBCORES = 16
NUM_WORKERS = NUM_CORES * NUM_SUBCORES
B_PER_W = BATCH // NUM_WORKERS
LANES = 16


def _sc_gather128(table128, team_ids):
    mesh = plsc.VectorSubcoreMesh(core_axis_name="c", subcore_axis_name="s")

    @functools.partial(
        pl.kernel,
        mesh=mesh,
        out_type=jax.ShapeDtypeStruct((BATCH, 128), jnp.float32),
        scratch_types=[
            pltpu.VMEM((B_PER_W,), jnp.int32),
            pltpu.VMEM((B_PER_W,), jnp.int32),
            pltpu.VMEM((B_PER_W, 128), jnp.float32),
            pltpu.SemaphoreType.DMA,
        ],
    )
    def k(table_hbm, idx_hbm, out_hbm, idx_v, idq_v, rows_v, sem):
        wid = lax.axis_index("s") * NUM_CORES + lax.axis_index("c")
        base = wid * B_PER_W
        pltpu.sync_copy(idx_hbm.at[pl.ds(base, B_PER_W)], idx_v)
        for i in range(B_PER_W // LANES):
            sl = pl.ds(i * LANES, LANES)
            idq_v[sl] = lax.shift_right_logical(idx_v[sl], 2)
        pltpu.async_copy(table_hbm.at[idq_v], rows_v, sem).wait()
        pltpu.sync_copy(rows_v, out_hbm.at[pl.ds(base, B_PER_W)])

    return k(table128, team_ids)


ROW_BLOCK = 2048


def _extract_dense_body(g_ref, ids_ref, stats_ref, w_ref, b_ref, out_ref):
    off = ids_ref[...] % ROWS_PER_128
    emb = jnp.zeros((ROW_BLOCK, EMBED_DIM), jnp.float32)
    for k in range(ROWS_PER_128):
        part = g_ref[:, k * EMBED_DIM:(k + 1) * EMBED_DIM]
        emb = jnp.where(off == k, part, emb)
    out_ref[...] = emb + lax.dot_general(
        stats_ref[...], w_ref[...],
        dimension_numbers=(((1,), (1,)), ((), ())),
        preferred_element_type=jnp.float32,
    ) + b_ref[...]


def _extract_dense(gathered128, team_ids, team_stats, W, b):
    nblk = BATCH // ROW_BLOCK
    return pl.pallas_call(
        _extract_dense_body,
        grid=(nblk,),
        in_specs=[
            pl.BlockSpec((ROW_BLOCK, 128), lambda i: (i, 0)),
            pl.BlockSpec((ROW_BLOCK, 1), lambda i: (i, 0)),
            pl.BlockSpec((ROW_BLOCK, 10), lambda i: (i, 0)),
            pl.BlockSpec((EMBED_DIM, 10), lambda i: (0, 0)),
            pl.BlockSpec((1, EMBED_DIM), lambda i: (0, 0)),
        ],
        out_specs=pl.BlockSpec((ROW_BLOCK, EMBED_DIM), lambda i: (i, 0)),
        out_shape=jax.ShapeDtypeStruct((BATCH, EMBED_DIM), jnp.float32),
    )(gathered128, team_ids.reshape(BATCH, 1), team_stats, W,
      b.reshape(1, EMBED_DIM))


def kernel(team_ids, team_stats, emb_table, W, b):
    ids32 = team_ids.astype(jnp.int32)
    table128 = emb_table.reshape(emb_table.shape[0] // ROWS_PER_128, 128)
    gathered128 = _sc_gather128(table128, ids32)
    return _extract_dense(gathered128, ids32, team_stats, W, b)

# --- scband reference (transcript-rebuilt; emitter-appended) ---
"""Pipeline reference for scband-team-embedding-layer-58162447123019 (READ-ONLY COPY).

The authoritative reference and input builder live on the scoring server;
editing this copy changes nothing except your own understanding.
"""

import jax, jax.numpy as jnp
import numpy as np

NUM_TEAMS = 1000000
EMBED_DIM = 32
BATCH = 16384
STATS_DIM = 10

def setup_inputs(seed: int = 0) -> dict:
    key = jax.random.key(seed)
    k1, k2, k3, k4, k5 = jax.random.split(key, 5)
    team_ids = jax.random.randint(k1, (BATCH,), 0, NUM_TEAMS, dtype=jnp.int64 if jax.config.jax_enable_x64 else jnp.int32)
    team_stats = jax.random.normal(k2, (BATCH, STATS_DIM), dtype=jnp.float32)
    emb_table = jax.random.normal(k3, (NUM_TEAMS, EMBED_DIM), dtype=jnp.float32) * 0.02
    W = jax.random.normal(k4, (EMBED_DIM, STATS_DIM), dtype=jnp.float32) * (1.0 / np.sqrt(STATS_DIM))
    b = jax.random.normal(k5, (EMBED_DIM,), dtype=jnp.float32) * 0.01
    return {"team_ids": team_ids, "team_stats": team_stats, "emb_table": emb_table, "W": W, "b": b}

def reference(team_ids, team_stats, emb_table, W, b):
    # nn.Embedding lookup
    team_emb = jnp.take(emb_table, team_ids, axis=0)
    # nn.Linear(10, embedding_dim): stats @ W.T + b
    stats_emb = team_stats @ W.T + b
    combined = team_emb + stats_emb
    # Dropout is identity in eval mode
    return combined

if __name__ == "__main__":
    import jax
    _d = setup_inputs()
    print(jax.jit(kernel)(*tuple(_d.values())))

</pallas_src>

<mosaic_0001>
#map = affine_map<(d0, d1) -> (0, 0)>
#map1 = affine_map<(d0, d1) -> (0)>
module attributes {stable_mosaic.version = 14 : i64} {
  func.func @k(%arg0: i32, %arg1: i32, %arg2: memref<250000x128xf32, #tpu.memory_space<hbm>>, %arg3: memref<16384xi32, #tpu.memory_space<hbm>>, %arg4: memref<16384x128xf32, #tpu.memory_space<hbm>>, %arg5: memref<512xi32, #tpu.memory_space<vmem>>, %arg6: memref<512xi32, #tpu.memory_space<vmem>>, %arg7: memref<512x128xf32, #tpu.memory_space<vmem>>, %arg8: memref<!tpu.dma_semaphore, #tpu.memory_space<semaphore_mem>>) attributes {dimension_semantics = [#tpu.dimension_semantics<core_parallel>, #tpu.dimension_semantics<subcore_parallel>], iteration_bounds = array<i64: 2, 16>, scalar_prefetch = 0 : i64, scratch_operands = 4 : i64, tpu.core_type = #tpu.core_type<sc_vector_subcore>, window_params = [{transform_indices = #map}, {transform_indices = #map1}, {transform_indices = #map}]} {
    %mul3A = arith.constant 2 : i32
    %mul3A_0 = arith.muli %arg1, %mul3A : i32
    %add3A = arith.addi %mul3A_0, %arg0 : i32
    %mul3A_1 = arith.constant 512 : i32
    %mul3A_2 = arith.muli %add3A, %mul3A_1 : i32
    "tpu.region"() ({
      %run_scoped3A = tpu.sem_alloc : memref<!tpu.dma_semaphore, #tpu.memory_space<semaphore_mem>>
      %dma_start3A_324 = tpu.memref_slice %arg3[%mul3A_2] : memref<16384xi32, #tpu.memory_space<hbm>> -> memref<512xi32, #tpu.memory_space<hbm>>
      %dma_start3A_325 = tpu.memref_slice %arg3[%mul3A_2] : memref<16384xi32, #tpu.memory_space<hbm>> -> memref<512xi32, #tpu.memory_space<hbm>>
      tpu.enqueue_dma source(%dma_start3A_325 : memref<512xi32, #tpu.memory_space<hbm>>) target(%arg5 : memref<512xi32, #tpu.memory_space<vmem>>) target_semaphore(%run_scoped3A : memref<!tpu.dma_semaphore, #tpu.memory_space<semaphore_mem>>)
      %dma_wait3A_326 = tpu.memref_slice %arg3[%mul3A_2] : memref<16384xi32, #tpu.memory_space<hbm>> -> memref<512xi32, #tpu.memory_space<hbm>>
      %dma_wait3A_327 = tpu.memref_slice %arg3[%mul3A_2] : memref<16384xi32, #tpu.memory_space<hbm>> -> memref<512xi32, #tpu.memory_space<hbm>>
      tpu.wait_dma2 semaphore(%run_scoped3A : memref<!tpu.dma_semaphore, #tpu.memory_space<semaphore_mem>>) src(%dma_wait3A_327 : memref<512xi32, #tpu.memory_space<hbm>>) dst(%arg5 : memref<512xi32, #tpu.memory_space<vmem>>)
      tpu.yield
    }) : () -> ()
    %get3A = arith.constant 0 : index
    %get3A_3 = tpu.vector_load %arg5[%get3A] {strides = array<i32>} : memref<512xi32, #tpu.memory_space<vmem>>, vector<16xi32>,
    %get3A_4 = vector.shape_cast %get3A_3 : vector<16xi32> to vector<16xi32>
    %shift_right_logical3A = arith.constant 2 : i32
    %shift_right_logical3A_5 = vector.broadcast %shift_right_logical3A : i32 to vector<16xi32>
    %shift_right_logical3A_6 = arith.shrui %get3A_4, %shift_right_logical3A_5 : vector<16xi32>
    %swap3A = arith.constant 0 : index
    %swap3A_7 = tpu.vector_load %arg6[%swap3A] {strides = array<i32>} : memref<512xi32, #tpu.memory_space<vmem>>, vector<16xi32>,
    %swap3A_8 = vector.shape_cast %swap3A_7 : vector<16xi32> to vector<16xi32>
    %swap3A_9 = vector.shape_cast %shift_right_logical3A_6 : vector<16xi32> to vector<16xi32>
    tpu.vector_store %arg6[%swap3A], %swap3A_9 {strides = array<i32>} : memref<512xi32, #tpu.memory_space<vmem>>, vector<16xi32>,
    %get3A_10 = arith.constant 16 : index
    %get3A_11 = tpu.vector_load %arg5[%get3A_10] {strides = array<i32>} : memref<512xi32, #tpu.memory_space<vmem>>, vector<16xi32>,
    %get3A_12 = vector.shape_cast %get3A_11 : vector<16xi32> to vector<16xi32>
    %shift_right_logical3A_13 = arith.constant 2 : i32
    %shift_right_logical3A_14 = vector.broadcast %shift_right_logical3A_13 : i32 to vector<16xi32>
    %shift_right_logical3A_15 = arith.shrui %get3A_12, %shift_right_logical3A_14 : vector<16xi32>
    %swap3A_16 = arith.constant 16 : index
    %swap3A_17 = tpu.vector_load %arg6[%swap3A_16] {strides = array<i32>} : memref<512xi32, #tpu.memory_space<vmem>>, vector<16xi32>,
    %swap3A_18 = vector.shape_cast %swap3A_17 : vector<16xi32> to vector<16xi32>
    %swap3A_19 = vector.shape_cast %shift_right_logical3A_15 : vector<16xi32> to vector<16xi32>
    tpu.vector_store %arg6[%swap3A_16], %swap3A_19 {strides = array<i32>} : memref<512xi32, #tpu.memory_space<vmem>>, vector<16xi32>,
    %get3A_20 = arith.constant 32 : index
    %get3A_21 = tpu.vector_load %arg5[%get3A_20] {strides = array<i32>} : memref<512xi32, #tpu.memory_space<vmem>>, vector<16xi32>,
    %get3A_22 = vector.shape_cast %get3A_21 : vector<16xi32> to vector<16xi32>
    %shift_right_logical3A_23 = arith.constant 2 : i32
    %shift_right_logical3A_24 = vector.broadcast %shift_right_logical3A_23 : i32 to vector<16xi32>
    %shift_right_logical3A_25 = arith.shrui %get3A_22, %shift_right_logical3A_24 : vector<16xi32>
    %swap3A_26 = arith.constant 32 : index
    %swap3A_27 = tpu.vector_load %arg6[%swap3A_26] {strides = array<i32>} : memref<512xi32, #tpu.memory_space<vmem>>, vector<16xi32>,
    %swap3A_28 = vector.shape_cast %swap3A_27 : vector<16xi32> to vector<16xi32>
    %swap3A_29 = vector.shape_cast %shift_right_logical3A_25 : vector<16xi32> to vector<16xi32>
    tpu.vector_store %arg6[%swap3A_26], %swap3A_29 {strides = array<i32>} : memref<512xi32, #tpu.memory_space<vmem>>, vector<16xi32>,
    %get3A_30 = arith.constant 48 : index
    %get3A_31 = tpu.vector_load %arg5[%get3A_30] {strides = array<i32>} : memref<512xi32, #tpu.memory_space<vmem>>, vector<16xi32>,
    %get3A_32 = vector.shape_cast %get3A_31 : vector<16xi32> to vector<16xi32>
    %shift_right_logical3A_33 = arith.constant 2 : i32
    %shift_right_logical3A_34 = vector.broadcast %shift_right_logical3A_33 : i32 to vector<16xi32>
    %shift_right_logical3A_35 = arith.shrui %get3A_32, %shift_right_logical3A_34 : vector<16xi32>
    %swap3A_36 = arith.constant 48 : index
    %swap3A_37 = tpu.vector_load %arg6[%swap3A_36] {strides = array<i32>} : memref<512xi32, #tpu.memory_space<vmem>>, vector<16xi32>,
    %swap3A_38 = vector.shape_cast %swap3A_37 : vector<16xi32> to vector<16xi32>
    %swap3A_39 = vector.shape_cast %shift_right_logical3A_35 : vector<16xi32> to vector<16xi32>
    tpu.vector_store %arg6[%swap3A_36], %swap3A_39 {strides = array<i32>} : memref<512xi32, #tpu.memory_space<vmem>>, vector<16xi32>,
    %get3A_40 = arith.constant 64 : index
    %get3A_41 = tpu.vector_load %arg5[%get3A_40] {strides = array<i32>} : memref<512xi32, #tpu.memory_space<vmem>>, vector<16xi32>,
    %get3A_42 = vector.shape_cast %get3A_41 : vector<16xi32> to vector<16xi32>
    %shift_right_logical3A_43 = arith.constant 2 : i32
    %shift_right_logical3A_44 = vector.broadcast %shift_right_logical3A_43 : i32 to vector<16xi32>
    %shift_right_logical3A_45 = arith.shrui %get3A_42, %shift_right_logical3A_44 : vector<16xi32>
    %swap3A_46 = arith.constant 64 : index
    %swap3A_47 = tpu.vector_load %arg6[%swap3A_46] {strides = array<i32>} : memref<512xi32, #tpu.memory_space<vmem>>, vector<16xi32>,
    %swap3A_48 = vector.shape_cast %swap3A_47 : vector<16xi32> to vector<16xi32>
    %swap3A_49 = vector.shape_cast %shift_right_logical3A_45 : vector<16xi32> to vector<16xi32>
    tpu.vector_store %arg6[%swap3A_46], %swap3A_49 {strides = array<i32>} : memref<512xi32, #tpu.memory_space<vmem>>, vector<16xi32>,
    %get3A_50 = arith.constant 80 : index
    %get3A_51 = tpu.vector_load %arg5[%get3A_50] {strides = array<i32>} : memref<512xi32, #tpu.memory_space<vmem>>, vector<16xi32>,
    %get3A_52 = vector.shape_cast %get3A_51 : vector<16xi32> to vector<16xi32>
    %shift_right_logical3A_53 = arith.constant 2 : i32
    %shift_right_logical3A_54 = vector.broadcast %shift_right_logical3A_53 : i32 to vector<16xi32>
    %shift_right_logical3A_55 = arith.shrui %get3A_52, %shift_right_logical3A_54 : vector<16xi32>
    %swap3A_56 = arith.constant 80 : index
    %swap3A_57 = tpu.vector_load %arg6[%swap3A_56] {strides = array<i32>} : memref<512xi32, #tpu.memory_space<vmem>>, vector<16xi32>,
    %swap3A_58 = vector.shape_cast %swap3A_57 : vector<16xi32> to vector<16xi32>
    %swap3A_59 = vector.shape_cast %shift_right_logical3A_55 : vector<16xi32> to vector<16xi32>
    tpu.vector_store %arg6[%swap3A_56], %swap3A_59 {strides = array<i32>} : memref<512xi32, #tpu.memory_space<vmem>>, vector<16xi32>,
    %get3A_60 = arith.constant 96 : index
    %get3A_61 = tpu.vector_load %arg5[%get3A_60] {strides = array<i32>} : memref<512xi32, #tpu.memory_space<vmem>>, vector<16xi32>,
    %get3A_62 = vector.shape_cast %get3A_61 : vector<16xi32> to vector<16xi32>
    %shift_right_logical3A_63 = arith.constant 2 : i32
    %shift_right_logical3A_64 = vector.broadcast %shift_right_logical3A_63 : i32 to vector<16xi32>
    %shift_right_logical3A_65 = arith.shrui %get3A_62, %shift_right_logical3A_64 : vector<16xi32>
    %swap3A_66 = arith.constant 96 : index
    %swap3A_67 = tpu.vector_load %arg6[%swap3A_66] {strides = array<i32>} : memref<512xi32, #tpu.memory_space<vmem>>, vector<16xi32>,
    %swap3A_68 = vector.shape_cast %swap3A_67 : vector<16xi32> to vector<16xi32>
    %swap3A_69 = vector.shape_cast %shift_right_logical3A_65 : vector<16xi32> to vector<16xi32>
    tpu.vector_store %arg6[%swap3A_66], %swap3A_69 {strides = array<i32>} : memref<512xi32, #tpu.memory_space<vmem>>, vector<16xi32>,
    %get3A_70 = arith.constant 112 : index
    %get3A_71 = tpu.vector_load %arg5[%get3A_70] {strides = array<i32>} : memref<512xi32, #tpu.memory_space<vmem>>, vector<16xi32>,
    %get3A_72 = vector.shape_cast %get3A_71 : vector<16xi32> to vector<16xi32>
    %shift_right_logical3A_73 = arith.constant 2 : i32
    %shift_right_logical3A_74 = vector.broadcast %shift_right_logical3A_73 : i32 to vector<16xi32>
    %shift_right_logical3A_75 = arith.shrui %get3A_72, %shift_right_logical3A_74 : vector<16xi32>
    %swap3A_76 = arith.constant 112 : index
    %swap3A_77 = tpu.vector_load %arg6[%swap3A_76] {strides = array<i32>} : memref<512xi32, #tpu.memory_space<vmem>>, vector<16xi32>,
    %swap3A_78 = vector.shape_cast %swap3A_77 : vector<16xi32> to vector<16xi32>
    %swap3A_79 = vector.shape_cast %shift_right_logical3A_75 : vector<16xi32> to vector<16xi32>
    tpu.vector_store %arg6[%swap3A_76], %swap3A_79 {strides = array<i32>} : memref<512xi32, #tpu.memory_space<vmem>>, vector<16xi32>,
    %get3A_80 = arith.constant 128 : index
    %get3A_81 = tpu.vector_load %arg5[%get3A_80] {strides = array<i32>} : memref<512xi32, #tpu.memory_space<vmem>>, vector<16xi32>,
    %get3A_82 = vector.shape_cast %get3A_81 : vector<16xi32> to vector<16xi32>
    %shift_right_logical3A_83 = arith.constant 2 : i32
    %shift_right_logical3A_84 = vector.broadcast %shift_right_logical3A_83 : i32 to vector<16xi32>
    %shift_right_logical3A_85 = arith.shrui %get3A_82, %shift_right_logical3A_84 : vector<16xi32>
    %swap3A_86 = arith.constant 128 : index
    %swap3A_87 = tpu.vector_load %arg6[%swap3A_86] {strides = array<i32>} : memref<512xi32, #tpu.memory_space<vmem>>, vector<16xi32>,
    %swap3A_88 = vector.shape_cast %swap3A_87 : vector<16xi32> to vector<16xi32>
    %swap3A_89 = vector.shape_cast %shift_right_logical3A_85 : vector<16xi32> to vector<16xi32>
    tpu.vector_store %arg6[%swap3A_86], %swap3A_89 {strides = array<i32>} : memref<512xi32, #tpu.memory_space<vmem>>, vector<16xi32>,
    %get3A_90 = arith.constant 144 : index
    %get3A_91 = tpu.vector_load %arg5[%get3A_90] {strides = array<i32>} : memref<512xi32, #tpu.memory_space<vmem>>, vector<16xi32>,
    %get3A_92 = vector.shape_cast %get3A_91 : vector<16xi32> to vector<16xi32>
    %shift_right_logical3A_93 = arith.constant 2 : i32
    %shift_right_logical3A_94 = vector.broadcast %shift_right_logical3A_93 : i32 to vector<16xi32>
    %shift_right_logical3A_95 = arith.shrui %get3A_92, %shift_right_logical3A_94 : vector<16xi32>
    %swap3A_96 = arith.constant 144 : index
    %swap3A_97 = tpu.vector_load %arg6[%swap3A_96] {strides = array<i32>} : memref<512xi32, #tpu.memory_space<vmem>>, vector<16xi32>,
    %swap3A_98 = vector.shape_cast %swap3A_97 : vector<16xi32> to vector<16xi32>
    %swap3A_99 = vector.shape_cast %shift_right_logical3A_95 : vector<16xi32> to vector<16xi32>
    tpu.vector_store %arg6[%swap3A_96], %swap3A_99 {strides = array<i32>} : memref<512xi32, #tpu.memory_space<vmem>>, vector<16xi32>,
    %get3A_100 = arith.constant 160 : index
    %get3A_101 = tpu.vector_load %arg5[%get3A_100] {strides = array<i32>} : memref<512xi32, #tpu.memory_space<vmem>>, vector<16xi32>,
    %get3A_102 = vector.shape_cast %get3A_101 : vector<16xi32> to vector<16xi32>
    %shift_right_logical3A_103 = arith.constant 2 : i32
    %shift_right_logical3A_104 = vector.broadcast %shift_right_logical3A_103 : i32 to vector<16xi32>
    %shift_right_logical3A_105 = arith.shrui %get3A_102, %shift_right_logical3A_104 : vector<16xi32>
    %swap3A_106 = arith.constant 160 : index
    %swap3A_107 = tpu.vector_load %arg6[%swap3A_106] {strides = array<i32>} : memref<512xi32, #tpu.memory_space<vmem>>, vector<16xi32>,
    %swap3A_108 = vector.shape_cast %swap3A_107 : vector<16xi32> to vector<16xi32>
    %swap3A_109 = vector.shape_cast %shift_right_logical3A_105 : vector<16xi32> to vector<16xi32>
    tpu.vector_store %arg6[%swap3A_106], %swap3A_109 {strides = array<i32>} : memref<512xi32, #tpu.memory_space<vmem>>, vector<16xi32>,
    %get3A_110 = arith.constant 176 : index
    %get3A_111 = tpu.vector_load %arg5[%get3A_110] {strides = array<i32>} : memref<512xi32, #tpu.memory_space<vmem>>, vector<16xi32>,
    %get3A_112 = vector.shape_cast %get3A_111 : vector<16xi32> to vector<16xi32>
    %shift_right_logical3A_113 = arith.constant 2 : i32
    %shift_right_logical3A_114 = vector.broadcast %shift_right_logical3A_113 : i32 to vector<16xi32>
    %shift_right_logical3A_115 = arith.shrui %get3A_112, %shift_right_logical3A_114 : vector<16xi32>
    %swap3A_116 = arith.constant 176 : index
    %swap3A_117 = tpu.vector_load %arg6[%swap3A_116] {strides = array<i32>} : memref<512xi32, #tpu.memory_space<vmem>>, vector<16xi32>,
    %swap3A_118 = vector.shape_cast %swap3A_117 : vector<16xi32> to vector<16xi32>
    %swap3A_119 = vector.shape_cast %shift_right_logical3A_115 : vector<16xi32> to vector<16xi32>
    tpu.vector_store %arg6[%swap3A_116], %swap3A_119 {strides = array<i32>} : memref<512xi32, #tpu.memory_space<vmem>>, vector<16xi32>,
    %get3A_120 = arith.constant 192 : index
    %get3A_121 = tpu.vector_load %arg5[%get3A_120] {strides = array<i32>} : memref<512xi32, #tpu.memory_space<vmem>>, vector<16xi32>,
    %get3A_122 = vector.shape_cast %get3A_121 : vector<16xi32> to vector<16xi32>
    %shift_right_logical3A_123 = arith.constant 2 : i32
    %shift_right_logical3A_124 = vector.broadcast %shift_right_logical3A_123 : i32 to vector<16xi32>
    %shift_right_logical3A_125 = arith.shrui %get3A_122, %shift_right_logical3A_124 : vector<16xi32>
    %swap3A_126 = arith.constant 192 : index
    %swap3A_127 = tpu.vector_load %arg6[%swap3A_126] {strides = array<i32>} : memref<512xi32, #tpu.memory_space<vmem>>, vector<16xi32>,
    %swap3A_128 = vector.shape_cast %swap3A_127 : vector<16xi32> to vector<16xi32>
    %swap3A_129 = vector.shape_cast %shift_right_logical3A_125 : vector<16xi32> to vector<16xi32>
    tpu.vector_store %arg6[%swap3A_126], %swap3A_129 {strides = array<i32>} : memref<512xi32, #tpu.memory_space<vmem>>, vector<16xi32>,
    %get3A_130 = arith.constant 208 : index
    %get3A_131 = tpu.vector_load %arg5[%get3A_130] {strides = array<i32>} : memref<512xi32, #tpu.memory_space<vmem>>, vector<16xi32>,
    %get3A_132 = vector.shape_cast %get3A_131 : vector<16xi32> to vector<16xi32>
    %shift_right_logical3A_133 = arith.constant 2 : i32
    %shift_right_logical3A_134 = vector.broadcast %shift_right_logical3A_133 : i32 to vector<16xi32>
    %shift_right_logical3A_135 = arith.shrui %get3A_132, %shift_right_logical3A_134 : vector<16xi32>
    %swap3A_136 = arith.constant 208 : index
    %swap3A_137 = tpu.vector_load %arg6[%swap3A_136] {strides = array<i32>} : memref<512xi32, #tpu.memory_space<vmem>>, vector<16xi32>,
    %swap3A_138 = vector.shape_cast %swap3A_137 : vector<16xi32> to vector<16xi32>
    %swap3A_139 = vector.shape_cast %shift_right_logical3A_135 : vector<16xi32> to vector<16xi32>
    tpu.vector_store %arg6[%swap3A_136], %swap3A_139 {strides = array<i32>} : memref<512xi32, #tpu.memory_space<vmem>>, vector<16xi32>,
    %get3A_140 = arith.constant 224 : index
    %get3A_141 = tpu.vector_load %arg5[%get3A_140] {strides = array<i32>} : memref<512xi32, #tpu.memory_space<vmem>>, vector<16xi32>,
    %get3A_142 = vector.shape_cast %get3A_141 : vector<16xi32> to vector<16xi32>
    %shift_right_logical3A_143 = arith.constant 2 : i32
    %shift_right_logical3A_144 = vector.broadcast %shift_right_logical3A_143 : i32 to vector<16xi32>
    %shift_right_logical3A_145 = arith.shrui %get3A_142, %shift_right_logical3A_144 : vector<16xi32>
    %swap3A_146 = arith.constant 224 : index
    %swap3A_147 = tpu.vector_load %arg6[%swap3A_146] {strides = array<i32>} : memref<512xi32, #tpu.memory_space<vmem>>, vector<16xi32>,
    %swap3A_148 = vector.shape_cast %swap3A_147 : vector<16xi32> to vector<16xi32>
    %swap3A_149 = vector.shape_cast %shift_right_logical3A_145 : vector<16xi32> to vector<16xi32>
    tpu.vector_store %arg6[%swap3A_146], %swap3A_149 {strides = array<i32>} : memref<512xi32, #tpu.memory_space<vmem>>, vector<16xi32>,
    %get3A_150 = arith.constant 240 : index
    %get3A_151 = tpu.vector_load %arg5[%get3A_150] {strides = array<i32>} : memref<512xi32, #tpu.memory_space<vmem>>, vector<16xi32>,
    %get3A_152 = vector.shape_cast %get3A_151 : vector<16xi32> to vector<16xi32>
    %shift_right_logical3A_153 = arith.constant 2 : i32
    %shift_right_logical3A_154 = vector.broadcast %shift_right_logical3A_153 : i32 to vector<16xi32>
    %shift_right_logical3A_155 = arith.shrui %get3A_152, %shift_right_logical3A_154 : vector<16xi32>
    %swap3A_156 = arith.constant 240 : index
    %swap3A_157 = tpu.vector_load %arg6[%swap3A_156] {strides = array<i32>} : memref<512xi32, #tpu.memory_space<vmem>>, vector<16xi32>,
    %swap3A_158 = vector.shape_cast %swap3A_157 : vector<16xi32> to vector<16xi32>
    %swap3A_159 = vector.shape_cast %shift_right_logical3A_155 : vector<16xi32> to vector<16xi32>
    tpu.vector_store %arg6[%swap3A_156], %swap3A_159 {strides = array<i32>} : memref<512xi32, #tpu.memory_space<vmem>>, vector<16xi32>,
    %get3A_160 = arith.constant 256 : index
    %get3A_161 = tpu.vector_load %arg5[%get3A_160] {strides = array<i32>} : memref<512xi32, #tpu.memory_space<vmem>>, vector<16xi32>,
    %get3A_162 = vector.shape_cast %get3A_161 : vector<16xi32> to vector<16xi32>
    %shift_right_logical3A_163 = arith.constant 2 : i32
    %shift_right_logical3A_164 = vector.broadcast %shift_right_logical3A_163 : i32 to vector<16xi32>
    %shift_right_logical3A_165 = arith.shrui %get3A_162, %shift_right_logical3A_164 : vector<16xi32>
    %swap3A_166 = arith.constant 256 : index
    %swap3A_167 = tpu.vector_load %arg6[%swap3A_166] {strides = array<i32>} : memref<512xi32, #tpu.memory_space<vmem>>, vector<16xi32>,
    %swap3A_168 = vector.shape_cast %swap3A_167 : vector<16xi32> to vector<16xi32>
    %swap3A_169 = vector.shape_cast %shift_right_logical3A_165 : vector<16xi32> to vector<16xi32>
    tpu.vector_store %arg6[%swap3A_166], %swap3A_169 {strides = array<i32>} : memref<512xi32, #tpu.memory_space<vmem>>, vector<16xi32>,
    %get3A_170 = arith.constant 272 : index
    %get3A_171 = tpu.vector_load %arg5[%get3A_170] {strides = array<i32>} : memref<512xi32, #tpu.memory_space<vmem>>, vector<16xi32>,
    %get3A_172 = vector.shape_cast %get3A_171 : vector<16xi32> to vector<16xi32>
    %shift_right_logical3A_173 = arith.constant 2 : i32
    %shift_right_logical3A_174 = vector.broadcast %shift_right_logical3A_173 : i32 to vector<16xi32>
    %shift_right_logical3A_175 = arith.shrui %get3A_172, %shift_right_logical3A_174 : vector<16xi32>
    %swap3A_176 = arith.constant 272 : index
    %swap3A_177 = tpu.vector_load %arg6[%swap3A_176] {strides = array<i32>} : memref<512xi32, #tpu.memory_space<vmem>>, vector<16xi32>,
    %swap3A_178 = vector.shape_cast %swap3A_177 : vector<16xi32> to vector<16xi32>
    %swap3A_179 = vector.shape_cast %shift_right_logical3A_175 : vector<16xi32> to vector<16xi32>
    tpu.vector_store %arg6[%swap3A_176], %swap3A_179 {strides = array<i32>} : memref<512xi32, #tpu.memory_space<vmem>>, vector<16xi32>,
    %get3A_180 = arith.constant 288 : index
    %get3A_181 = tpu.vector_load %arg5[%get3A_180] {strides = array<i32>} : memref<512xi32, #tpu.memory_space<vmem>>, vector<16xi32>,
    %get3A_182 = vector.shape_cast %get3A_181 : vector<16xi32> to vector<16xi32>
    %shift_right_logical3A_183 = arith.constant 2 : i32
    %shift_right_logical3A_184 = vector.broadcast %shift_right_logical3A_183 : i32 to vector<16xi32>
    %shift_right_logical3A_185 = arith.shrui %get3A_182, %shift_right_logical3A_184 : vector<16xi32>
    %swap3A_186 = arith.constant 288 : index
    %swap3A_187 = tpu.vector_load %arg6[%swap3A_186] {strides = array<i32>} : memref<512xi32, #tpu.memory_space<vmem>>, vector<16xi32>,
    %swap3A_188 = vector.shape_cast %swap3A_187 : vector<16xi32> to vector<16xi32>
    %swap3A_189 = vector.shape_cast %shift_right_logical3A_185 : vector<16xi32> to vector<16xi32>
    tpu.vector_store %arg6[%swap3A_186], %swap3A_189 {strides = array<i32>} : memref<512xi32, #tpu.memory_space<vmem>>, vector<16xi32>,
    %get3A_190 = arith.constant 304 : index
    %get3A_191 = tpu.vector_load %arg5[%get3A_190] {strides = array<i32>} : memref<512xi32, #tpu.memory_space<vmem>>, vector<16xi32>,
    %get3A_192 = vector.shape_cast %get3A_191 : vector<16xi32> to vector<16xi32>
    %shift_right_logical3A_193 = arith.constant 2 : i32
    %shift_right_logical3A_194 = vector.broadcast %shift_right_logical3A_193 : i32 to vector<16xi32>
    %shift_right_logical3A_195 = arith.shrui %get3A_192, %shift_right_logical3A_194 : vector<16xi32>
    %swap3A_196 = arith.constant 304 : index
    %swap3A_197 = tpu.vector_load %arg6[%swap3A_196] {strides = array<i32>} : memref<512xi32, #tpu.memory_space<vmem>>, vector<16xi32>,
    %swap3A_198 = vector.shape_cast %swap3A_197 : vector<16xi32> to vector<16xi32>
    %swap3A_199 = vector.shape_cast %shift_right_logical3A_195 : vector<16xi32> to vector<16xi32>
    tpu.vector_store %arg6[%swap3A_196], %swap3A_199 {strides = array<i32>} : memref<512xi32, #tpu.memory_space<vmem>>, vector<16xi32>,
    %get3A_200 = arith.constant 320 : index
    %get3A_201 = tpu.vector_load %arg5[%get3A_200] {strides = array<i32>} : memref<512xi32, #tpu.memory_space<vmem>>, vector<16xi32>,
    %get3A_202 = vector.shape_cast %get3A_201 : vector<16xi32> to vector<16xi32>
    %shift_right_logical3A_203 = arith.constant 2 : i32
    %shift_right_logical3A_204 = vector.broadcast %shift_right_logical3A_203 : i32 to vector<16xi32>
    %shift_right_logical3A_205 = arith.shrui %get3A_202, %shift_right_logical3A_204 : vector<16xi32>
    %swap3A_206 = arith.constant 320 : index
    %swap3A_207 = tpu.vector_load %arg6[%swap3A_206] {strides = array<i32>} : memref<512xi32, #tpu.memory_space<vmem>>, vector<16xi32>,
    %swap3A_208 = vector.shape_cast %swap3A_207 : vector<16xi32> to vector<16xi32>
    %swap3A_209 = vector.shape_cast %shift_right_logical3A_205 : vector<16xi32> to vector<16xi32>
    tpu.vector_store %arg6[%swap3A_206], %swap3A_209 {strides = array<i32>} : memref<512xi32, #tpu.memory_space<vmem>>, vector<16xi32>,
    %get3A_210 = arith.constant 336 : index
    %get3A_211 = tpu.vector_load %arg5[%get3A_210] {strides = array<i32>} : memref<512xi32, #tpu.memory_space<vmem>>, vector<16xi32>,
    %get3A_212 = vector.shape_cast %get3A_211 : vector<16xi32> to vector<16xi32>
    %shift_right_logical3A_213 = arith.constant 2 : i32
    %shift_right_logical3A_214 = vector.broadcast %shift_right_logical3A_213 : i32 to vector<16xi32>
    %shift_right_logical3A_215 = arith.shrui %get3A_212, %shift_right_logical3A_214 : vector<16xi32>
    %swap3A_216 = arith.constant 336 : index
    %swap3A_217 = tpu.vector_load %arg6[%swap3A_216] {strides = array<i32>} : memref<512xi32, #tpu.memory_space<vmem>>, vector<16xi32>,
    %swap3A_218 = vector.shape_cast %swap3A_217 : vector<16xi32> to vector<16xi32>
    %swap3A_219 = vector.shape_cast %shift_right_logical3A_215 : vector<16xi32> to vector<16xi32>
    tpu.vector_store %arg6[%swap3A_216], %swap3A_219 {strides = array<i32>} : memref<512xi32, #tpu.memory_space<vmem>>, vector<16xi32>,
    %get3A_220 = arith.constant 352 : index
    %get3A_221 = tpu.vector_load %arg5[%get3A_220] {strides = array<i32>} : memref<512xi32, #tpu.memory_space<vmem>>, vector<16xi32>,
    %get3A_222 = vector.shape_cast %get3A_221 : vector<16xi32> to vector<16xi32>
    %shift_right_logical3A_223 = arith.constant 2 : i32
    %shift_right_logical3A_224 = vector.broadcast %shift_right_logical3A_223 : i32 to vector<16xi32>
    %shift_right_logical3A_225 = arith.shrui %get3A_222, %shift_right_logical3A_224 : vector<16xi32>
    %swap3A_226 = arith.constant 352 : index
    %swap3A_227 = tpu.vector_load %arg6[%swap3A_226] {strides = array<i32>} : memref<512xi32, #tpu.memory_space<vmem>>, vector<16xi32>,
    %swap3A_228 = vector.shape_cast %swap3A_227 : vector<16xi32> to vector<16xi32>
    %swap3A_229 = vector.shape_cast %shift_right_logical3A_225 : vector<16xi32> to vector<16xi32>
    tpu.vector_store %arg6[%swap3A_226], %swap3A_229 {strides = array<i32>} : memref<512xi32, #tpu.memory_space<vmem>>, vector<16xi32>,
    %get3A_230 = arith.constant 368 : index
    %get3A_231 = tpu.vector_load %arg5[%get3A_230] {strides = array<i32>} : memref<512xi32, #tpu.memory_space<vmem>>, vector<16xi32>,
    %get3A_232 = vector.shape_cast %get3A_231 : vector<16xi32> to vector<16xi32>
    %shift_right_logical3A_233 = arith.constant 2 : i32
    %shift_right_logical3A_234 = vector.broadcast %shift_right_logical3A_233 : i32 to vector<16xi32>
    %shift_right_logical3A_235 = arith.shrui %get3A_232, %shift_right_logical3A_234 : vector<16xi32>
    %swap3A_236 = arith.constant 368 : index
    %swap3A_237 = tpu.vector_load %arg6[%swap3A_236] {strides = array<i32>} : memref<512xi32, #tpu.memory_space<vmem>>, vector<16xi32>,
    %swap3A_238 = vector.shape_cast %swap3A_237 : vector<16xi32> to vector<16xi32>
    %swap3A_239 = vector.shape_cast %shift_right_logical3A_235 : vector<16xi32> to vector<16xi32>
    tpu.vector_store %arg6[%swap3A_236], %swap3A_239 {strides = array<i32>} : memref<512xi32, #tpu.memory_space<vmem>>, vector<16xi32>,
    %get3A_240 = arith.constant 384 : index
    %get3A_241 = tpu.vector_load %arg5[%get3A_240] {strides = array<i32>} : memref<512xi32, #tpu.memory_space<vmem>>, vector<16xi32>,
    %get3A_242 = vector.shape_cast %get3A_241 : vector<16xi32> to vector<16xi32>
    %shift_right_logical3A_243 = arith.constant 2 : i32
    %shift_right_logical3A_244 = vector.broadcast %shift_right_logical3A_243 : i32 to vector<16xi32>
    %shift_right_logical3A_245 = arith.shrui %get3A_242, %shift_right_logical3A_244 : vector<16xi32>
    %swap3A_246 = arith.constant 384 : index
    %swap3A_247 = tpu.vector_load %arg6[%swap3A_246] {strides = array<i32>} : memref<512xi32, #tpu.memory_space<vmem>>, vector<16xi32>,
    %swap3A_248 = vector.shape_cast %swap3A_247 : vector<16xi32> to vector<16xi32>
    %swap3A_249 = vector.shape_cast %shift_right_logical3A_245 : vector<16xi32> to vector<16xi32>
    tpu.vector_store %arg6[%swap3A_246], %swap3A_249 {strides = array<i32>} : memref<512xi32, #tpu.memory_space<vmem>>, vector<16xi32>,
    %get3A_250 = arith.constant 400 : index
    %get3A_251 = tpu.vector_load %arg5[%get3A_250] {strides = array<i32>} : memref<512xi32, #tpu.memory_space<vmem>>, vector<16xi32>,
    %get3A_252 = vector.shape_cast %get3A_251 : vector<16xi32> to vector<16xi32>
    %shift_right_logical3A_253 = arith.constant 2 : i32
    %shift_right_logical3A_254 = vector.broadcast %shift_right_logical3A_253 : i32 to vector<16xi32>
    %shift_right_logical3A_255 = arith.shrui %get3A_252, %shift_right_logical3A_254 : vector<16xi32>
    %swap3A_256 = arith.constant 400 : index
    %swap3A_257 = tpu.vector_load %arg6[%swap3A_256] {strides = array<i32>} : memref<512xi32, #tpu.memory_space<vmem>>, vector<16xi32>,
    %swap3A_258 = vector.shape_cast %swap3A_257 : vector<16xi32> to vector<16xi32>
    %swap3A_259 = vector.shape_cast %shift_right_logical3A_255 : vector<16xi32> to vector<16xi32>
    tpu.vector_store %arg6[%swap3A_256], %swap3A_259 {strides = array<i32>} : memref<512xi32, #tpu.memory_space<vmem>>, vector<16xi32>,
    %get3A_260 = arith.constant 416 : index
    %get3A_261 = tpu.vector_load %arg5[%get3A_260] {strides = array<i32>} : memref<512xi32, #tpu.memory_space<vmem>>, vector<16xi32>,
    %get3A_262 = vector.shape_cast %get3A_261 : vector<16xi32> to vector<16xi32>
    %shift_right_logical3A_263 = arith.constant 2 : i32
    %shift_right_logical3A_264 = vector.broadcast %shift_right_logical3A_263 : i32 to vector<16xi32>
    %shift_right_logical3A_265 = arith.shrui %get3A_262, %shift_right_logical3A_264 : vector<16xi32>
    %swap3A_266 = arith.constant 416 : index
    %swap3A_267 = tpu.vector_load %arg6[%swap3A_266] {strides = array<i32>} : memref<512xi32, #tpu.memory_space<vmem>>, vector<16xi32>,
    %swap3A_268 = vector.shape_cast %swap3A_267 : vector<16xi32> to vector<16xi32>
    %swap3A_269 = vector.shape_cast %shift_right_logical3A_265 : vector<16xi32> to vector<16xi32>
    tpu.vector_store %arg6[%swap3A_266], %swap3A_269 {strides = array<i32>} : memref<512xi32, #tpu.memory_space<vmem>>, vector<16xi32>,
    %get3A_270 = arith.constant 432 : index
    %get3A_271 = tpu.vector_load %arg5[%get3A_270] {strides = array<i32>} : memref<512xi32, #tpu.memory_space<vmem>>, vector<16xi32>,
    %get3A_272 = vector.shape_cast %get3A_271 : vector<16xi32> to vector<16xi32>
    %shift_right_logical3A_273 = arith.constant 2 : i32
    %shift_right_logical3A_274 = vector.broadcast %shift_right_logical3A_273 : i32 to vector<16xi32>
    %shift_right_logical3A_275 = arith.shrui %get3A_272, %shift_right_logical3A_274 : vector<16xi32>
    %swap3A_276 = arith.constant 432 : index
    %swap3A_277 = tpu.vector_load %arg6[%swap3A_276] {strides = array<i32>} : memref<512xi32, #tpu.memory_space<vmem>>, vector<16xi32>,
    %swap3A_278 = vector.shape_cast %swap3A_277 : vector<16xi32> to vector<16xi32>
    %swap3A_279 = vector.shape_cast %shift_right_logical3A_275 : vector<16xi32> to vector<16xi32>
    tpu.vector_store %arg6[%swap3A_276], %swap3A_279 {strides = array<i32>} : memref<512xi32, #tpu.memory_space<vmem>>, vector<16xi32>,
    %get3A_280 = arith.constant 448 : index
    %get3A_281 = tpu.vector_load %arg5[%get3A_280] {strides = array<i32>} : memref<512xi32, #tpu.memory_space<vmem>>, vector<16xi32>,
    %get3A_282 = vector.shape_cast %get3A_281 : vector<16xi32> to vector<16xi32>
    %shift_right_logical3A_283 = arith.constant 2 : i32
    %shift_right_logical3A_284 = vector.broadcast %shift_right_logical3A_283 : i32 to vector<16xi32>
    %shift_right_logical3A_285 = arith.shrui %get3A_282, %shift_right_logical3A_284 : vector<16xi32>
    %swap3A_286 = arith.constant 448 : index
    %swap3A_287 = tpu.vector_load %arg6[%swap3A_286] {strides = array<i32>} : memref<512xi32, #tpu.memory_space<vmem>>, vector<16xi32>,
    %swap3A_288 = vector.shape_cast %swap3A_287 : vector<16xi32> to vector<16xi32>
    %swap3A_289 = vector.shape_cast %shift_right_logical3A_285 : vector<16xi32> to vector<16xi32>
    tpu.vector_store %arg6[%swap3A_286], %swap3A_289 {strides = array<i32>} : memref<512xi32, #tpu.memory_space<vmem>>, vector<16xi32>,
    %get3A_290 = arith.constant 464 : index
    %get3A_291 = tpu.vector_load %arg5[%get3A_290] {strides = array<i32>} : memref<512xi32, #tpu.memory_space<vmem>>, vector<16xi32>,
    %get3A_292 = vector.shape_cast %get3A_291 : vector<16xi32> to vector<16xi32>
    %shift_right_logical3A_293 = arith.constant 2 : i32
    %shift_right_logical3A_294 = vector.broadcast %shift_right_logical3A_293 : i32 to vector<16xi32>
    %shift_right_logical3A_295 = arith.shrui %get3A_292, %shift_right_logical3A_294 : vector<16xi32>
    %swap3A_296 = arith.constant 464 : index
    %swap3A_297 = tpu.vector_load %arg6[%swap3A_296] {strides = array<i32>} : memref<512xi32, #tpu.memory_space<vmem>>, vector<16xi32>,
    %swap3A_298 = vector.shape_cast %swap3A_297 : vector<16xi32> to vector<16xi32>
    %swap3A_299 = vector.shape_cast %shift_right_logical3A_295 : vector<16xi32> to vector<16xi32>
    tpu.vector_store %arg6[%swap3A_296], %swap3A_299 {strides = array<i32>} : memref<512xi32, #tpu.memory_space<vmem>>, vector<16xi32>,
    %get3A_300 = arith.constant 480 : index
    %get3A_301 = tpu.vector_load %arg5[%get3A_300] {strides = array<i32>} : memref<512xi32, #tpu.memory_space<vmem>>, vector<16xi32>,
    %get3A_302 = vector.shape_cast %get3A_301 : vector<16xi32> to vector<16xi32>
    %shift_right_logical3A_303 = arith.constant 2 : i32
    %shift_right_logical3A_304 = vector.broadcast %shift_right_logical3A_303 : i32 to vector<16xi32>
    %shift_right_logical3A_305 = arith.shrui %get3A_302, %shift_right_logical3A_304 : vector<16xi32>
    %swap3A_306 = arith.constant 480 : index
    %swap3A_307 = tpu.vector_load %arg6[%swap3A_306] {strides = array<i32>} : memref<512xi32, #tpu.memory_space<vmem>>, vector<16xi32>,
    %swap3A_308 = vector.shape_cast %swap3A_307 : vector<16xi32> to vector<16xi32>
    %swap3A_309 = vector.shape_cast %shift_right_logical3A_305 : vector<16xi32> to vector<16xi32>
    tpu.vector_store %arg6[%swap3A_306], %swap3A_309 {strides = array<i32>} : memref<512xi32, #tpu.memory_space<vmem>>, vector<16xi32>,
    %get3A_310 = arith.constant 496 : index
    %get3A_311 = tpu.vector_load %arg5[%get3A_310] {strides = array<i32>} : memref<512xi32, #tpu.memory_space<vmem>>, vector<16xi32>,
    %get3A_312 = vector.shape_cast %get3A_311 : vector<16xi32> to vector<16xi32>
    %shift_right_logical3A_313 = arith.constant 2 : i32
    %shift_right_logical3A_314 = vector.broadcast %shift_right_logical3A_313 : i32 to vector<16xi32>
    %shift_right_logical3A_315 = arith.shrui %get3A_312, %shift_right_logical3A_314 : vector<16xi32>
    %swap3A_316 = arith.constant 496 : index
    %swap3A_317 = tpu.vector_load %arg6[%swap3A_316] {strides = array<i32>} : memref<512xi32, #tpu.memory_space<vmem>>, vector<16xi32>,
    %swap3A_318 = vector.shape_cast %swap3A_317 : vector<16xi32> to vector<16xi32>
    %swap3A_319 = vector.shape_cast %shift_right_logical3A_315 : vector<16xi32> to vector<16xi32>
    tpu.vector_store %arg6[%swap3A_316], %swap3A_319 {strides = array<i32>} : memref<512xi32, #tpu.memory_space<vmem>>, vector<16xi32>,
    %dma_start3A = arith.constant 0 : i32
    %dma_start3A_320 = arith.constant 0 : i32
    %dma_start3A_321 = tpu.memref_slice %arg2[%dma_start3A, %dma_start3A_320] : memref<250000x128xf32, #tpu.memory_space<hbm>> -> memref<250000x128xf32, #tpu.memory_space<hbm>>
    tpu.enqueue_indirect_dma source(%dma_start3A_321 : memref<250000x128xf32, #tpu.memory_space<hbm>>) target(%arg7 : memref<512x128xf32, #tpu.memory_space<vmem>>) offsets(%arg6 : memref<512xi32, #tpu.memory_space<vmem>>) semaphore(%arg8 : memref<!tpu.dma_semaphore, #tpu.memory_space<semaphore_mem>>)
    %dma_wait3A = arith.constant 0 : i32
    %dma_wait3A_322 = arith.constant 0 : i32
    %dma_wait3A_323 = tpu.memref_slice %arg2[%dma_wait3A, %dma_wait3A_322] : memref<250000x128xf32, #tpu.memory_space<hbm>> -> memref<250000x128xf32, #tpu.memory_space<hbm>>
    tpu.wait_indirect_dma semaphore(%arg8 : memref<!tpu.dma_semaphore, #tpu.memory_space<semaphore_mem>>) src(%dma_wait3A_323 : memref<250000x128xf32, #tpu.memory_space<hbm>>) dst(%arg7 : memref<512x128xf32, #tpu.memory_space<vmem>>)
    "tpu.region"() ({
      %run_scoped3A = tpu.sem_alloc : memref<!tpu.dma_semaphore, #tpu.memory_space<semaphore_mem>>
      %dma_start3A_324 = arith.constant 0 : i32
      %dma_start3A_325 = tpu.memref_slice %arg4[%mul3A_2, %dma_start3A_324] : memref<16384x128xf32, #tpu.memory_space<hbm>> -> memref<512x128xf32, #tpu.memory_space<hbm>>
      %dma_start3A_326 = arith.constant 0 : i32
      %dma_start3A_327 = tpu.memref_slice %arg4[%mul3A_2, %dma_start3A_326] : memref<16384x128xf32, #tpu.memory_space<hbm>> -> memref<512x128xf32, #tpu.memory_space<hbm>>
      tpu.enqueue_dma source(%arg7 : memref<512x128xf32, #tpu.memory_space<vmem>>) target(%dma_start3A_327 : memref<512x128xf32, #tpu.memory_space<hbm>>) target_semaphore(%run_scoped3A : memref<!tpu.dma_semaphore, #tpu.memory_space<semaphore_mem>>)
      %dma_wait3A_328 = arith.constant 0 : i32
      %dma_wait3A_329 = tpu.memref_slice %arg4[%mul3A_2, %dma_wait3A_328] : memref<16384x128xf32, #tpu.memory_space<hbm>> -> memref<512x128xf32, #tpu.memory_space<hbm>>
      %dma_wait3A_330 = arith.constant 0 : i32
      %dma_wait3A_331 = tpu.memref_slice %arg4[%mul3A_2, %dma_wait3A_330] : memref<16384x128xf32, #tpu.memory_space<hbm>> -> memref<512x128xf32, #tpu.memory_space<hbm>>
      tpu.wait_dma2 semaphore(%run_scoped3A : memref<!tpu.dma_semaphore, #tpu.memory_space<semaphore_mem>>) src(%arg7 : memref<512x128xf32, #tpu.memory_space<vmem>>) dst(%dma_wait3A_331 : memref<512x128xf32, #tpu.memory_space<hbm>>)
      tpu.yield
    }) : () -> ()
    return
  }
}

module attributes {stable_mosaic.version = 14 : i64} {
  func.func @_extract_dense_body(%arg0: i32, %arg1: memref<2048x128xf32, #tpu.memory_space<vmem>>, %arg2: memref<2048x1xi32, #tpu.memory_space<vmem>>, %arg3: memref<2048x10xf32, #tpu.memory_space<vmem>>, %arg4: memref<32x10xf32, #tpu.memory_space<vmem>>, %arg5: memref<1x32xf32, #tpu.memory_space<vmem>>, %arg6: memref<2048x32xf32, #tpu.memory_space<vmem>>) attributes {dimension_semantics = [#tpu.dimension_semantics<arbitrary>], iteration_bounds = array<i64: 8>, scalar_prefetch = 0 : i64, scratch_operands = 0 : i64, tpu.core_type = #tpu.core_type<tc>, window_params = [{transform_indices = @transform_0, window_bounds = array<i64: 2048, 128>}, {transform_indices = @transform_1, window_bounds = array<i64: 2048, 1>}, {transform_indices = @transform_2, window_bounds = array<i64: 2048, 10>}, {pipeline_mode = #tpu.pipeline_mode<synchronous>, transform_indices = @transform_3, window_bounds = array<i64: 32, 10>}, {pipeline_mode = #tpu.pipeline_mode<synchronous>, transform_indices = @transform_4, window_bounds = array<i64: 1, 32>}, {transform_indices = @transform_5, window_bounds = array<i64: 2048, 32>}]} {
    %get3A = arith.constant 0 : index
    %get3A_0 = arith.constant 0 : index
    %get3A_1 = vector.load %arg2[%get3A, %get3A_0] : memref<2048x1xi32, #tpu.memory_space<vmem>>, vector<2048x1xi32>
    %jit3A = arith.constant 4 : i32
    %eq3A = arith.constant 0 : i32
    %eq3A_2 = arith.cmpi eq, %jit3A, %eq3A : i32
    %jit3A_3 = arith.constant 1 : i32
    %select_n3A = arith.select %eq3A_2, %jit3A_3, %jit3A : i32
    %rem3A = vector.broadcast %select_n3A : i32 to vector<2048x1xi32>
    %rem3A_4 = arith.remsi %get3A_1, %rem3A : vector<2048x1xi32>
    %ne3A = arith.constant 0 : i32
    %ne3A_5 = vector.broadcast %ne3A : i32 to vector<2048x1xi32>
    %ne3A_6 = arith.cmpi ne, %rem3A_4, %ne3A_5 : vector<2048x1xi32>
    %lt3A = arith.constant 0 : i32
    %lt3A_7 = vector.broadcast %lt3A : i32 to vector<2048x1xi32>
    %lt3A_8 = arith.cmpi slt, %rem3A_4, %lt3A_7 : vector<2048x1xi32>
    %lt3A_9 = arith.constant 0 : i32
    %lt3A_10 = arith.cmpi slt, %select_n3A, %lt3A_9 : i32
    %ne3A_11 = vector.broadcast %lt3A_10 : i1 to vector<2048x1xi1>
    %ne3A_12 = vector.broadcast %ne3A_11 : vector<2048x1xi1> to vector<2048x1xi1>
    %ne3A_13 = arith.xori %lt3A_8, %ne3A_12 : vector<2048x1xi1>
    %and3A = arith.andi %ne3A_13, %ne3A_6 : vector<2048x1xi1>
    %add3A = vector.broadcast %select_n3A : i32 to vector<2048x1xi32>
    %add3A_14 = arith.addi %rem3A_4, %add3A : vector<2048x1xi32>
    %select_n3A_15 = arith.select %and3A, %add3A_14, %rem3A_4 : vector<2048x1xi1>, vector<2048x1xi32>
    %broadcast_in_dim3A = arith.constant 0.000000e+00 : f32
    %broadcast_in_dim3A_16 = vector.broadcast %broadcast_in_dim3A : f32 to vector<2048x32xf32>
    %get3A_17 = arith.constant 0 : index
    %get3A_18 = arith.constant 0 : index
    %get3A_19 = vector.load %arg1[%get3A_17, %get3A_18] : memref<2048x128xf32, #tpu.memory_space<vmem>>, vector<2048x32xf32>
    %eq3A_20 = arith.constant 0 : i32
    %eq3A_21 = vector.broadcast %eq3A_20 : i32 to vector<2048x1xi32>
    %eq3A_22 = arith.cmpi eq, %select_n3A_15, %eq3A_21 : vector<2048x1xi32>
    %broadcast_in_dim3A_23 = vector.shape_cast %eq3A_22 : vector<2048x1xi1> to vector<2048x1xi1>
    %broadcast_in_dim3A_24 = vector.broadcast %broadcast_in_dim3A_23 : vector<2048x1xi1> to vector<2048x32xi1>
    %select_n3A_25 = arith.select %broadcast_in_dim3A_24, %get3A_19, %broadcast_in_dim3A_16 : vector<2048x32xi1>, vector<2048x32xf32>
    %get3A_26 = arith.constant 0 : index
    %get3A_27 = arith.constant 32 : index
    %get3A_28 = vector.load %arg1[%get3A_26, %get3A_27] : memref<2048x128xf32, #tpu.memory_space<vmem>>, vector<2048x32xf32>
    %eq3A_29 = arith.constant 1 : i32
    %eq3A_30 = vector.broadcast %eq3A_29 : i32 to vector<2048x1xi32>
    %eq3A_31 = arith.cmpi eq, %select_n3A_15, %eq3A_30 : vector<2048x1xi32>
    %broadcast_in_dim3A_32 = vector.shape_cast %eq3A_31 : vector<2048x1xi1> to vector<2048x1xi1>
    %broadcast_in_dim3A_33 = vector.broadcast %broadcast_in_dim3A_32 : vector<2048x1xi1> to vector<2048x32xi1>
    %select_n3A_34 = arith.select %broadcast_in_dim3A_33, %get3A_28, %select_n3A_25 : vector<2048x32xi1>, vector<2048x32xf32>
    %get3A_35 = arith.constant 0 : index
    %get3A_36 = arith.constant 64 : index
    %get3A_37 = vector.load %arg1[%get3A_35, %get3A_36] : memref<2048x128xf32, #tpu.memory_space<vmem>>, vector<2048x32xf32>
    %eq3A_38 = arith.constant 2 : i32
    %eq3A_39 = vector.broadcast %eq3A_38 : i32 to vector<2048x1xi32>
    %eq3A_40 = arith.cmpi eq, %select_n3A_15, %eq3A_39 : vector<2048x1xi32>
    %broadcast_in_dim3A_41 = vector.shape_cast %eq3A_40 : vector<2048x1xi1> to vector<2048x1xi1>
    %broadcast_in_dim3A_42 = vector.broadcast %broadcast_in_dim3A_41 : vector<2048x1xi1> to vector<2048x32xi1>
    %select_n3A_43 = arith.select %broadcast_in_dim3A_42, %get3A_37, %select_n3A_34 : vector<2048x32xi1>, vector<2048x32xf32>
    %get3A_44 = arith.constant 0 : index
    %get3A_45 = arith.constant 96 : index
    %get3A_46 = vector.load %arg1[%get3A_44, %get3A_45] : memref<2048x128xf32, #tpu.memory_space<vmem>>, vector<2048x32xf32>
    %eq3A_47 = arith.constant 3 : i32
    %eq3A_48 = vector.broadcast %eq3A_47 : i32 to vector<2048x1xi32>
    %eq3A_49 = arith.cmpi eq, %select_n3A_15, %eq3A_48 : vector<2048x1xi32>
    %broadcast_in_dim3A_50 = vector.shape_cast %eq3A_49 : vector<2048x1xi1> to vector<2048x1xi1>
    %broadcast_in_dim3A_51 = vector.broadcast %broadcast_in_dim3A_50 : vector<2048x1xi1> to vector<2048x32xi1>
    %select_n3A_52 = arith.select %broadcast_in_dim3A_51, %get3A_46, %select_n3A_43 : vector<2048x32xi1>, vector<2048x32xf32>
    %get3A_53 = arith.constant 0 : index
    %get3A_54 = arith.constant 0 : index
    %get3A_55 = vector.load %arg3[%get3A_53, %get3A_54] : memref<2048x10xf32, #tpu.memory_space<vmem>>, vector<2048x10xf32>
    %get3A_56 = arith.constant 0 : index
    %get3A_57 = arith.constant 0 : index
    %get3A_58 = vector.load %arg4[%get3A_56, %get3A_57] : memref<32x10xf32, #tpu.memory_space<vmem>>, vector<32x10xf32>
    %dot_general3A = arith.constant dense<0.000000e+00> : vector<2048x32xf32>
    %dot_general3A_59 = tpu.matmul %get3A_55, %get3A_58, %dot_general3A {dimension_numbers = #tpu.dot_dimension_numbers<[1], [1], [0], [0], [0, 0, 1, 0], [], []>, transpose_lhs_hint = false} : vector<2048x10xf32>, vector<32x10xf32>, vector<2048x32xf32> -> vector<2048x32xf32>
    %add3A_60 = arith.addf %select_n3A_52, %dot_general3A_59 : vector<2048x32xf32>
    %get3A_61 = arith.constant 0 : index
    %get3A_62 = arith.constant 0 : index
    %get3A_63 = vector.load %arg5[%get3A_61, %get3A_62] : memref<1x32xf32, #tpu.memory_space<vmem>>, vector<1x32xf32>
    %add3A_64 = vector.broadcast %get3A_63 : vector<1x32xf32> to vector<2048x32xf32>
    %add3A_65 = arith.addf %add3A_60, %add3A_64 : vector<2048x32xf32>
    %swap3A = arith.constant 0 : index
    %swap3A_66 = arith.constant 0 : index
    %swap3A_67 = vector.load %arg6[%swap3A, %swap3A_66] : memref<2048x32xf32, #tpu.memory_space<vmem>>, vector<2048x32xf32>
    tpu.vector_store %arg6[%swap3A, %swap3A_66], %add3A_65 {strides = array<i32>} : memref<2048x32xf32, #tpu.memory_space<vmem>>, vector<2048x32xf32>,
    return
  }
  func.func @transform_0(%arg0: i32) -> (i32, i32) {
    %c0_i32 = arith.constant 0 : i32
    %c0_i32_0 = arith.constant 0 : i32
    return %arg0, %c0_i32 : i32, i32
  }
  func.func @transform_1(%arg0: i32) -> (i32, i32) {
    %c0_i32 = arith.constant 0 : i32
    %c0_i32_0 = arith.constant 0 : i32
    return %arg0, %c0_i32 : i32, i32
  }
  func.func @transform_2(%arg0: i32) -> (i32, i32) {
    %c0_i32 = arith.constant 0 : i32
    %c0_i32_0 = arith.constant 0 : i32
    return %arg0, %c0_i32 : i32, i32
  }
  func.func @transform_3(%arg0: i32) -> (i32, i32) {
    %c0_i32 = arith.constant 0 : i32
    %c0_i32_0 = arith.constant 0 : i32
    %c0_i32_1 = arith.constant 0 : i32
    return %c0_i32, %c0_i32_0 : i32, i32
  }
  func.func @transform_4(%arg0: i32) -> (i32, i32) {
    %c0_i32 = arith.constant 0 : i32
    %c0_i32_0 = arith.constant 0 : i32
    %c0_i32_1 = arith.constant 0 : i32
    return %c0_i32, %c0_i32_0 : i32, i32
  }
  func.func @transform_5(%arg0: i32) -> (i32, i32) {
    %c0_i32 = arith.constant 0 : i32
    %c0_i32_0 = arith.constant 0 : i32
    return %arg0, %c0_i32 : i32, i32
  }
}

</mosaic_0001>

<sc_bundles>
// kernel: kernel.4.cloned.1.call-start
scs
__scs_entry_jumppad:
0x0: {  	(pc) =	sbr.rel $0x88, $3  }
0x1: {  	(tag) =	ssettag $0x0;
	lr =	simm.s32 $0x1  }
0x2: {  	[smem:$0x3F9C] =	sst lr;
	_ =	strace $0xD0000000  }
0x3: {  	_ = 	snop  }
0x4: {  	_ = 	snop  }
0x5: {  	_ = 	snop  }
0x6: {  	_ = 	snop  }
0x7: {  	_ = 	snop  }
__scs_overlays_trampoline_lowered:
0x8: {  	[smem:$0x3FAB] =	sst s0  }
0x9: {  	[smem:$0x3FAC] =	sst s1  }
0xa: {  	[smem:$0x3FAD] =	sst s2  }
0xb: {  	[smem:$0x3FAE] =	sst s3  }
0xc: {  	[smem:$0x3FAF] =	sst s4  }
0xd: {  	[smem:$0x3FB0] =	sst s5  }
0xe: {  	[smem:$0x3FB1] =	sst s6  }
0xf: {  	[smem:$0x3FB2] =	sst s7  }
0x10: {  	[smem:$0x3FB3] =	sst s8  }
0x11: {  	[smem:$0x3FB4] =	sst s9;
	s0 =	simm.s32 @!p0 $0x0  }
0x12: {  	s1 =	sld [smem:$0x3F9A];
	s0 =	simm.s32 @p0 $0x1  }
0x13: {  	[smem:$0x3FB5] =	sst s0;
	s0 =	simm.s32 @!p1 $0x0  }
0x14: {  	s2 =	sld [smem:$0x3F99];
	s0 =	simm.s32 @p1 $0x1  }
0x15: {  	[smem:$0x3FB6] =	sst s0;
	s0 =	simm.s32 @!p2 $0x0  }
0x16: {  	s3 =	sld [smem:$0x3FDB];
	s0 =	simm.s32 @p2 $0x1  }
0x17: {  	s4 =	simm.s32 $0x1BF5;
	[smem:$0x3FB8] =	sst s0  }
0x18: {  	s0 =	sld [smem:$0x3F9B];
	_ =	swait.ge [sflag:s4], $0x0  }
0x19: {  	s7 =	sld [smem:$0x3F9C]  }
0x1a: {  	s8 =	sadd.s32 $0xFFFFE003, lr  }
0x1b: {  	s9 =	sadd.s32 $0xFFFFFEF7, lr;
	s5 =	simm.s32 $0xFFFFFFFF;
	p2 =	slt.u32 s8, $0xFFFFF086  }
0x1c: {  	p1 =	slt.u32 s9, $0xF7A;
	s5 =	simm.s32 @!p2 $0x0  }
0x1d: {  	s5 =	simm.s32 @p1 $0x1;
	p0 =	seq.s32 s7, s2  }
0x1e: {  	s7 =	smul.u32 @!p0 $0xF7A, s2;
	p2 =	seq.s32 @!p0 s5, $0x0  }
0x1f: {  	s9 =	smul.u32 $0xF7A, s1;
	s8 =	simm.s32 @!p0 $0x1BF5;
	p2 =	por !p2, p0  }
0x20: {  	[sflag:s8] =	ssyncset.s32 @!p0 $0xFFFFF086;
	s6 =	sadd.s32 @!p0 s3, s7;
	s7 =	simm.s32 @!p0 $0x108  }
0x21: {  	s3 =	sadd.s32 s3, s9;
	s6 =	sadd.s32 @!p0 $0x88, s6;
	s7 =	simm.s32 @p2 $0x1082  }
0x22: {  	[simem:s7], [sflag:s8] =	dma.local @!p0 [hbm:s6], $0xF7A  }
0x23: {  	s9 =	sor.u32 $0xD0000000, s2;
	s6 =	simm.s32 $0x108;
	_ =	swait.ge @!p0 [sflag:s8], $0x0  }
0x24: {  	s3 =	sadd.s32 $0x88, s3;
	s6 =	simm.s32 @!p1 $0x1082;
	[sflag:s4] =	ssyncset.s32 $0xFFFFF086  }
0x25: {  	[simem:s6], [sflag:s4] =	dma.local [hbm:s3], $0xF7A  }
0x26: {  	[smem:$0x3F9C] =	sst s1;
	(tag) =	ssettag s2;
	_ =	strace s9  }
0x27: {  	s1 =	sld [smem:$0x3FAC]  }
0x28: {  	s2 =	sld [smem:$0x3FAD]  }
0x29: {  	s4 =	sld [smem:$0x3FAF]  }
0x2a: {  	p0 =	seq.s32 s5, $0x0;
	s5 =	sld [smem:$0x3FB0]  }
0x2b: {  	s6 =	sld [smem:$0x3FB1]  }
0x2c: {  	s7 =	sld [smem:$0x3FB2]  }
0x2d: {  	s3 =	simm.s32 $0x108;
	s8 =	sld [smem:$0x3FB3]  }
0x2e: {  	s3 =	simm.s32 @!p0 $0x1082;
	s9 =	sld [smem:$0x3FB4]  }
0x2f: {  	lr =	sadd.s32 s0, s3;
	s0 =	sld [smem:$0x3FAB]  }
0x30: {  	s3 =	sld [smem:$0x3FAE]  }
0x31: {  	[smem:$0x3FB7] =	sst s10  }
0x32: {  	s10 =	sld [smem:$0x3FB5];
	_ =	sdelay $0x3  }
0x33: {  	p0 =	seq.s32 s10, $0x1;
	s10 =	sld [smem:$0x3FB7];
	_ =	sdelay $0x3  }
0x34: {  	[smem:$0x3FB7] =	sst s10  }
0x35: {  	s10 =	sld [smem:$0x3FB6];
	_ =	sdelay $0x3  }
0x36: {  	p1 =	seq.s32 s10, $0x1;
	s10 =	sld [smem:$0x3FB7];
	_ =	sdelay $0x3  }
0x37: {  	[smem:$0x3FB7] =	sst s10  }
0x38: {  	s10 =	sld [smem:$0x3FB8]  }
0x39: {  	_ = 	snop;
	(pc) =	sbr.ind lr, $3  }
0x3a: {  	_ = 	snop  }
0x3b: {  	_ = 	snop  }
0x3c: {  	p2 =	seq.s32 s10, $0x1;
	s10 =	sld [smem:$0x3FB7]  }
0x3d: {  	_ =	shalt  }
0x3e: {  	_ =	shalt  }
0x3f: {  	_ =	shalt  }
0x40: {  	_ =	shalt  }
0x41: {  	_ =	shalt  }
0x42: {  	_ =	shalt  }
0x43: {  	_ =	shalt  }
0x44: {  	_ =	shalt  }
0x45: {  	_ =	shalt  }
0x46: {  	_ =	shalt  }
0x47: {  	_ =	shalt  }
0x48: {  	_ =	shalt  }
0x49: {  	_ =	shalt  }
0x4a: {  	_ =	shalt  }
0x4b: {  	_ =	shalt  }
0x4c: {  	_ =	shalt  }
0x4d: {  	_ =	shalt  }
0x4e: {  	_ =	shalt  }
0x4f: {  	_ =	shalt  }
0x50: {  	_ =	shalt  }
0x51: {  	_ =	shalt  }
0x52: {  	_ =	shalt  }
0x53: {  	_ =	shalt  }
0x54: {  	_ =	shalt  }
0x55: {  	_ =	shalt  }
0x56: {  	_ =	shalt  }
0x57: {  	_ =	shalt  }
0x58: {  	_ =	shalt  }
0x59: {  	_ =	shalt  }
0x5a: {  	_ =	shalt  }
0x5b: {  	_ =	shalt  }
0x5c: {  	_ =	shalt  }
0x5d: {  	_ =	shalt  }
0x5e: {  	_ =	shalt  }
0x5f: {  	_ =	shalt  }
0x60: {  	_ =	shalt  }
0x61: {  	_ =	shalt  }
0x62: {  	_ =	shalt  }
0x63: {  	_ =	shalt  }
0x64: {  	_ =	shalt  }
0x65: {  	_ =	shalt  }
0x66: {  	_ =	shalt  }
0x67: {  	_ =	shalt  }
0x68: {  	_ =	shalt  }
0x69: {  	_ =	shalt  }
0x6a: {  	_ =	shalt  }
0x6b: {  	_ =	shalt  }
0x6c: {  	_ =	shalt  }
0x6d: {  	_ =	shalt  }
0x6e: {  	_ =	shalt  }
0x6f: {  	_ =	shalt  }
0x70: {  	_ =	shalt  }
0x71: {  	_ =	shalt  }
0x72: {  	_ =	shalt  }
0x73: {  	_ =	shalt  }
0x74: {  	_ =	shalt  }
0x75: {  	_ =	shalt  }
0x76: {  	_ =	shalt  }
0x77: {  	_ =	shalt  }
0x78: {  	_ =	shalt  }
0x79: {  	_ =	shalt  }
0x7a: {  	_ =	shalt  }
0x7b: {  	_ =	shalt  }
0x7c: {  	_ =	shalt  }
0x7d: {  	_ =	shalt  }
0x7e: {  	_ =	shalt  }
0x7f: {  	_ =	shalt  }
0x80: {  	_ =	shalt  }
0x81: {  	_ =	shalt  }
0x82: {  	_ =	shalt  }
0x83: {  	_ =	shalt  }
0x84: {  	_ =	shalt  }
0x85: {  	_ =	shalt  }
0x86: {  	_ =	shalt  }
0x87: {  	_ =	shalt  }
.Lfunc_end0:
.L_simem_size_0:
called_computation_lowered:
.L_overlay_start_0:
0x88: {  	s2 =	sld [smem:$0x3FD9]  }
0x89: {  	s3 =	sld [smem:$0x3FFE];
	_ =	sdelay $0x1  }
0x8a: {  	s1 =	srdreg.scid  }
0x8b: {  	s0 =	sand.u32 $0x1, s1  }
0x8c: {  	s17 =	sshll.u32 s0, $0xA;
	s2 =	sadd.s32 s3, s2  }
0x8d: {  	s2 =	sadd.s32 s2, s17  }
0x8e: {  	[smem:$0x3FC3] =	sst s2  }
0x8f: {  	_ = 	snop  }
0x90: {  	s2 =	sld [smem:$0x3FC9];
	(tm) =	ssettm $0x1  }
0x91: {  	s18 =	sld [smem:$0x3FFB];
	_ =	sdelay $0x3  }
0x92: {  	_ =	strace s18  }
0x93: {  	s3 =	sld [smem:$0x3FFC];
	_ =	sdelay $0x3  }
0x94: {  	_ =	strace s3  }
0x95: {  	s3 =	sld [smem:$0x3FFD];
	_ =	sdelay $0x3  }
0x96: {  	_ =	strace s3  }
0x97: {  	_ =	strace $0x8FFFFFFF  }
0x98: {  	s19 =	sld [smem:$0x3FDB];
	_ =	sdelay $0x1  }
0x99: {  	s4 =	simm.s32 $_scs_section_size  }
0x9a: {  	s5 =	simm.s32 $_size__tile_overlayer_lowered;
	s6 =	simm.s32 $_tile_overlayer_lowered  }
0x9b: {  	s22 =	simm.s32 $0x1BFF;
	s21 =	sshll.u32 s6, $0x1;
	s3 =	sadd.s32 s4, s19  }
0x9c: {  	s7 =	simm.s32 $0x0;
	s20 =	sshll.u32 s5, $0x1;
	s5 =	sadd.s32 s21, s3  }
0x9d: {  	[timem:s7], [sflag:s22] =	dma.local [hbm:s5], s20  }
0x9e: {  	_ =	swait.ge [sflag:s22], s20  }
0x9f: {  	s4 =	ssub.s32 $0x0, s20;
	[sflag:s22] =	ssyncset.done $0x0  }
0xa0: {  	[sflag:s22] =	ssyncadd.s32 s4;
	_ =	sdelay $0x1  }
0xa1: {  	s23 =	simm.s32 $0x1B8B  }
0xa2: {  	_ =	swait.ge [sflag:s23], $0x1  }
0xa3: {  	[sflag:s23] =	ssyncset.done $0x0  }
0xa4: {  	s25 =	simm.s32 $0x1B8E;
	s24 =	sld [smem:$0x3FFE];
	[sflag:s23] =	ssyncadd.s32 $0xFFFFFFFF  }
0xa5: {  	s26 =	simm.s32 $execute0_lowered;
	[smem:$0x3FD2] =	sst s25  }
0xa6: {  	s5 =	sshll.u32 s26, $0x1;
	_ =	strace $0x80000046;
	[dreg:$0x1] =	wrdreg $0xFFFFFFFF  }
0xa7: {  	s28 =	simm.s32 $_size_execute0_lowered;
	s3 =	sadd.s32 s3, s5;
	[dreg:$0x0] =	wrdreg $0x0  }
0xa8: {  	s5 =	sshll.u32 s28, $0x1;
	[dreg:$0x2] =	wrdreg s3  }
0xa9: {  	[dreg:$0x3] =	wrdreg s5  }
0xaa: {  	[dreg:$0x4] =	wrdreg $0xC0  }
0xab: {  	_ =	task [dreg:s7], $0x5FFFF  }
0xac: {  	[dreg:$0x1] =	wrdreg $0xFFFFFFFF  }
0xad: {  	[dreg:$0x0] =	wrdreg $0x60  }
0xae: {  	[dreg:$0x2] =	wrdreg s24  }
0xaf: {  	[dreg:$0x3] =	wrdreg s2  }
0xb0: {  	[dreg:$0x4] =	wrdreg $0x9  }
0xb1: {  	_ =	task.clear_ibuf [dreg:s7], $0x5FFFF;
	_ =	strace $0x90000046  }
0xb2: {  	s29 =	simm.s32 $0x9;
	_ =	strace $0x80000048  }
0xb3: {  	_ =	swait.ge [sflag:s29], $0x1  }
0xb4: {  	[sflag:s29] =	ssyncadd.s32 $0xFFFFFFFF  }
0xb5: {  	_ =	strace $0x90000048  }
0xb6: {  	_ =	sfence  }
0xb7: {  	s30 =	sld [smem:$0x0];
	_ =	sdelay $0x2  }
0xb8: {  	s31 =	sshll.u32 s1, $0xD;
	s1 =	sshrl.u32 s1, $0x2  }
0xb9: {  	s3 =	sand.u32 $0x4000, s31;
	s1 =	sadd.s32 s1, s30  }
0xba: {  	s0 =	sor.u32 s3, s0;
	s1 =	sshll.u32 s1, $0x11  }
0xbb: {  	s0 =	sor.u32 s1, s0  }
0xbc: {  	s0 =	sadd.s32 $0x8F2B, s0  }
0xbd: {  	[sflag:s0] =	ssyncadd.remote.s32 $0x1  }
0xbe: {  	_ =	sfence.sel $0xFFFF  }
0xbf: {  	[dreg:$0x0] =	wrdreg $0xFFFFFFFF;
	(pc) =	sbr.abs _section_cstart, $3  }
0xc0: {  	[dreg:$0x1] =	wrdreg $0xFFFFFFFF  }
0xc1: {  	_ =	task.clear_ibuf [dreg:s7], $0x2FFFF;
	_ =	strace $0x9FFFFFFF  }
0xc2: {  	(tm) =	ssettm $0x7FFFFFFF  }
0xc3: {  	_ =	shalt  }
tec
execute0_lowered:
.L_overlay_start_1:
0x0: {  	(tag) =	ssettag $0x1  }
0x1: {  	s3 =	srdreg.scid  }
0x2: {  	s6 =	sand.u32 $0x1, s3  }
0x3: {  	s4 =	rddreg [dreg:$0x0];
	s8 =	sshll.u32 s6, $0x9;
	s6 =	ssub.s32 $0x2, s6  }
0x4: {  	s5 =	rddreg [dreg:$0x1];
	s9 =	sshrl.u32 s6, $0x1  }
0x5: {  	s0 =	rddreg [dreg:$0x2];
	s6 =	ssub.s32 s6, s9  }
0x6: {  	s2 =	simm.s32 $0x0;
	s1 =	stileid.u32;
	s10 =	smax.u32 s6, $0x1  }
0x7: {  	p0 =	por $0x0, $0x0;
	s7 =	sshll.u32 s1, $0xA;
	p1 =	sne.s32 s10, $0x1  }
.Ltmp0:
0x8: {  	[smem:$0x7FF] =	sst s2;
	s7 =	sor.u32 s8, s7;
	(pc) =	sbr.rel @!p1 .LBB2_3-.Ltmp0, $4  }
0x9: {  	s3 =	sadd.s32 $0xF43200, s4;
	s8 =	sshll.u32 s7, $0x4;
	s7 =	sshrl.u32 s7, $0x3  }
0xa: {  	_ =	strace $0x80000047;
	s4 =	sadd.s32 s8, s4;
	s9 =	sadd.s32 s5, s7  }
0xb: {  	s7 =	simm.s32 $0x200;
	s6 =	simm.s32 $0x400;
	s8 =	simm.s32 $0x1  }
0xc: {  	s5 =	sadd.s32 $0xE00, s4;
	s4 =	simm.s32 $0x2;
	s10 =	sadd.s32 $0xFFFFFFFF, s10  }
0xd: {  	[tilespmem:s2], [sflag:$0x2] =	stream.linear.gather [hbm4b:s9+s2], $0x200, $0x38;
	[tilespmem:$0x10400] =	vst v63  }
0xe: {  	_ =	swait.ge [sflag:s4], $0x200  }
0xf: {  	[sflag:s4] =	ssyncset.done $0x0  }
0x10: {  	[sflag:s4] =	ssyncadd.s32 $0xFFFFFE00  }
0x11: {  	v0 =	vld [tilespmem:$0x50]  }
0x12: {  	v1 =	vld [tilespmem:$0x40]  }
0x13: {  	v2 =	vld [tilespmem:$0x1A0]  }
0x14: {  	v3 =	vld [tilespmem:$0x60]  }
0x15: {  	v4 =	vld [tilespmem:$0xF0]  }
0x16: {  	v6 =	vld [tilespmem:$0x0]  }
0x17: {  	v7 =	vld [tilespmem:$0x70];
	v1 =	vshrl.u32 v1, $0x2  }
0x18: {  	v5 =	vld [tilespmem:$0x160];
	v0 =	vshrl.u32 v0, $0x2;
	[tilespmem:$0x240] =	vst v1  }
0x19: {  	v1 =	vshrl.u32 v2, $0x2;
	[tilespmem:$0x250] =	vst v0;
	v0 =	vld [tilespmem:$0xA0]  }
0x1a: {  	v3 =	vshrl.u32 v3, $0x2;
	[tilespmem:$0x3A0] =	vst v1;
	v1 =	vld [tilespmem:$0x90]  }
0x1b: {  	v4 =	vshrl.u32 v4, $0x2;
	[tilespmem:$0x260] =	vst v3;
	v3 =	vshrl.u32 v6, $0x2;
	v6 =	vld [tilespmem:$0x10]  }
0x1c: {  	v8 =	vld [tilespmem:$0xD0];
	v7 =	vshrl.u32 v7, $0x2;
	[tilespmem:$0x2F0] =	vst v4  }
0x1d: {  	v2 =	vld [tilespmem:$0x80];
	[tilespmem:$0x270] =	vst v7  }
0x1e: {  	v5 =	vshrl.u32 v5, $0x2;
	[tilespmem:$0x200] =	vst v3;
	v3 =	vld [tilespmem:$0xE0]  }
0x1f: {  	v4 =	vld [tilespmem:$0xB0];
	[tilespmem:$0x360] =	vst v5;
	v1 =	vshrl.u32 v1, $0x2  }
0x20: {  	v0 =	vshrl.u32 v0, $0x2;
	[tilespmem:$0x290] =	vst v1;
	v1 =	vshrl.u32 v6, $0x2;
	v6 =	vld [tilespmem:$0x20]  }
0x21: {  	v63 =	vld [tilespmem:$0x1B0];
	[tilespmem:$0x2A0] =	vst v0  }
0x22: {  	v2 =	vshrl.u32 v2, $0x2;
	[tilespmem:$0x210] =	vst v1;
	v1 =	vld [tilespmem:$0xC0]  }
0x23: {  	v3 =	vshrl.u32 v3, $0x2;
	[tilespmem:$0x280] =	vst v2;
	v2 =	vld [tilespmem:$0x120]  }
0x24: {  	v4 =	vshrl.u32 v4, $0x2;
	[tilespmem:$0x2E0] =	vst v3;
	v3 =	vld [tilespmem:$0x130]  }
0x25: {  	[tilespmem:$0x2B0] =	vst v4;
	v4 =	vld [tilespmem:$0x140];
	v5 =	vshrl.u32 v6, $0x2  }
0x26: {  	v6 =	vshrl.u32 v8, $0x2;
	[tilespmem:$0x220] =	vst v5;
	v5 =	vld [tilespmem:$0x30]  }
0x27: {  	v1 =	vshrl.u32 v1, $0x2;
	[tilespmem:$0x2D0] =	vst v6;
	v6 =	vld [tilespmem:$0x150]  }
0x28: {  	[tilespmem:$0x2C0] =	vst v1;
	v1 =	vshrl.u32 v2, $0x2;
	v2 =	vld [tilespmem:$0x170]  }
0x29: {  	[tilespmem:$0x320] =	vst v1;
	v1 =	vshrl.u32 v3, $0x2;
	v3 =	vld [tilespmem:$0x180]  }
0x2a: {  	v0 =	vld [tilespmem:$0x110];
	[tilespmem:$0x330] =	vst v1;
	v1 =	vshrl.u32 v4, $0x2  }
0x2b: {  	v4 =	vld [tilespmem:$0x190];
	[tilespmem:$0x340] =	vst v1;
	v5 =	vshrl.u32 v5, $0x2  }
0x2c: {  	v7 =	vld [tilespmem:$0x100];
	v1 =	vshrl.u32 v6, $0x2;
	[tilespmem:$0x230] =	vst v5  }
0x2d: {  	p1 =	sne.s32 s10, $0x1;
	v5 =	vld [tilespmem:$0x1C0];
	[tilespmem:$0x350] =	vst v1;
	v1 =	vshrl.u32 v2, $0x2  }
.Ltmp1:
0x2e: {  	[tilespmem:$0x370] =	vst v1;
	v2 =	vshrl.u32 v3, $0x2;
	v1 =	vld [tilespmem:$0x1D0];
	(pc) =	sbr.rel @!p1 .LBB2_3-.Ltmp1, $4  }
0x2f: {  	[tilespmem:$0x380] =	vst v2;
	v2 =	vld [tilespmem:$0x1E0]  }
0x30: {  	v6 =	vshrl.u32 v0, $0x2;
	v3 =	vshrl.u32 v4, $0x2;
	v4 =	vld [tilespmem:$0x1F0]  }
0x31: {  	[tilespmem:$0x310] =	vst v6  }
0x32: {  	s10 =	sadd.s32 $0xFFFFFFFF, s10;
	p0 =	por $0x1, $0x1;
	v0 =	vshrl.u32 v7, $0x2;
	[tilespmem:$0x390] =	vst v3;
	v3 =	vshrl.u32 v63, $0x2;
	v5 =	vshrl.u32 v5, $0x2  }
.LBB2_2:
0x33: {  	p1 =	sne.s32 s10, $0x1;
	s10 =	sadd.s32 $0xFFFFFFFF, s10;
	[tilespmem:$0x3C0] =	vst v5  }
0x34: {  	[tilespmem:$0x300] =	vst v0;
	v0 =	vshrl.u32 v2, $0x2  }
0x35: {  	v1 =	vshrl.u32 v1, $0x2;
	[tilespmem:$0x3E0] =	vst v0;
	v0 =	vshrl.u32 v4, $0x2  }
0x36: {  	[tilespmem:$0x3F0] =	vst v0  }
0x37: {  	[tilespmem:$0x3B0] =	vst v3  }
0x38: {  	[tilespmem:$0x3D0] =	vst v1  }
0x39: {  	[tilespmem:s6], [sflag:$0x1] =	stream.indirect.gather [hbm4b:s3+s7], $0x80, s7, s7, $0xb8;
	[tilespmem:$0x10400] =	vst v63  }
0x3a: {  	_ =	swait.ge [sflag:s8], $0x10000  }
0x3b: {  	[sflag:s8] =	ssyncset.done $0x0  }
0x3c: {  	[sflag:s8] =	ssyncadd.s32 $0xFFFF0000  }
0x3d: {  	[hbm4b:s5+s2] =	stream.linear.scatter [tilespmem:s6], [sflag:$0x2], $0x10000, $0x38;
	[tilespmem:$0x10400] =	vst v63  }
0x3e: {  	_ =	swait.ge [sflag:s4], $0x10000  }
0x3f: {  	[sflag:s4] =	ssyncset.done $0x0  }
0x40: {  	[sflag:s4] =	ssyncadd.s32 $0xFFFF0000  }
0x41: {  	[tilespmem:s2], [sflag:$0x2] =	stream.linear.gather [hbm4b:s9+s2], $0x200, $0x38;
	[tilespmem:$0x10400] =	vst v63  }
0x42: {  	_ =	swait.ge [sflag:s4], $0x200  }
0x43: {  	[sflag:s4] =	ssyncset.done $0x0  }
0x44: {  	[sflag:s4] =	ssyncadd.s32 $0xFFFFFE00  }
0x45: {  	v0 =	vld [tilespmem:$0x50]  }
0x46: {  	v1 =	vld [tilespmem:$0x40]  }
0x47: {  	v2 =	vld [tilespmem:$0x1A0]  }
0x48: {  	v3 =	vld [tilespmem:$0x60]  }
0x49: {  	v4 =	vld [tilespmem:$0xF0]  }
0x4a: {  	v5 =	vld [tilespmem:$0x160]  }
0x4b: {  	v6 =	vld [tilespmem:$0x0];
	v1 =	vshrl.u32 v1, $0x2  }
0x4c: {  	v0 =	vshrl.u32 v0, $0x2;
	[tilespmem:$0x240] =	vst v1;
	v1 =	vld [tilespmem:$0x70];
	v2 =	vshrl.u32 v2, $0x2  }
0x4d: {  	v3 =	vshrl.u32 v3, $0x2;
	v7 =	vld [tilespmem:$0x80];
	[tilespmem:$0x3A0] =	vst v2  }
0x4e: {  	[tilespmem:$0x250] =	vst v0;
	v0 =	vld [tilespmem:$0x90];
	v2 =	vshrl.u32 v4, $0x2  }
0x4f: {  	[tilespmem:$0x260] =	vst v3;
	v3 =	vld [tilespmem:$0xA0];
	v4 =	vshrl.u32 v5, $0x2  }
0x50: {  	v5 =	vshrl.u32 v6, $0x2;
	v6 =	vld [tilespmem:$0x10]  }
0x51: {  	[tilespmem:$0x200] =	vst v5;
	v1 =	vshrl.u32 v1, $0x2;
	v5 =	vld [tilespmem:$0xE0]  }
0x52: {  	v7 =	vshrl.u32 v7, $0x2;
	v8 =	vld [tilespmem:$0xD0];
	[tilespmem:$0x2F0] =	vst v2  }
0x53: {  	[tilespmem:$0x270] =	vst v1;
	v0 =	vshrl.u32 v0, $0x2;
	v1 =	vld [tilespmem:$0xB0]  }
0x54: {  	[tilespmem:$0x290] =	vst v0;
	v0 =	vshrl.u32 v3, $0x2;
	v2 =	vld [tilespmem:$0x100]  }
0x55: {  	v3 =	vshrl.u32 v6, $0x2;
	v6 =	vld [tilespmem:$0x20];
	[tilespmem:$0x360] =	vst v4  }
0x56: {  	[tilespmem:$0x210] =	vst v3;
	v3 =	vld [tilespmem:$0xC0];
	v4 =	vshrl.u32 v5, $0x2  }
0x57: {  	[tilespmem:$0x2A0] =	vst v0;
	v5 =	vshrl.u32 v8, $0x2;
	v8 =	vld [tilespmem:$0x110]  }
0x58: {  	[tilespmem:$0x280] =	vst v7;
	v1 =	vshrl.u32 v1, $0x2;
	v7 =	vld [tilespmem:$0x120]  }
0x59: {  	[tilespmem:$0x2E0] =	vst v4;
	v0 =	vshrl.u32 v2, $0x2;
	v2 =	vld [tilespmem:$0x130]  }
0x5a: {  	v4 =	vshrl.u32 v6, $0x2;
	[tilespmem:$0x2B0] =	vst v1;
	v1 =	vld [tilespmem:$0x140]  }
0x5b: {  	[tilespmem:$0x220] =	vst v4;
	v4 =	vld [tilespmem:$0x30];
	v3 =	vshrl.u32 v3, $0x2  }
0x5c: {  	[tilespmem:$0x2D0] =	vst v5;
	v5 =	vshrl.u32 v8, $0x2;
	v6 =	vld [tilespmem:$0x150]  }
0x5d: {  	[tilespmem:$0x2C0] =	vst v3;
	v3 =	vshrl.u32 v7, $0x2;
	v7 =	vld [tilespmem:$0x170]  }
0x5e: {  	[tilespmem:$0x320] =	vst v3;
	v2 =	vshrl.u32 v2, $0x2;
	v3 =	vld [tilespmem:$0x180]  }
0x5f: {  	[tilespmem:$0x330] =	vst v2;
	v1 =	vshrl.u32 v1, $0x2;
	v8 =	vld [tilespmem:$0x190]  }
0x60: {  	v2 =	vshrl.u32 v4, $0x2;
	[tilespmem:$0x340] =	vst v1;
	v9 =	vld [tilespmem:$0x1B0]  }
0x61: {  	[tilespmem:$0x230] =	vst v2;
	v1 =	vshrl.u32 v6, $0x2;
	v6 =	vld [tilespmem:$0x1C0]  }
.Ltmp2:
0x62: {  	[tilespmem:$0x350] =	vst v1;
	v2 =	vshrl.u32 v7, $0x2;
	v1 =	vld [tilespmem:$0x1D0];
	(pc) =	sbr.rel @p1 .LBB2_2-.Ltmp2, $4  }
0x63: {  	[tilespmem:$0x370] =	vst v2;
	v3 =	vshrl.u32 v3, $0x2;
	v2 =	vld [tilespmem:$0x1E0]  }
0x64: {  	[tilespmem:$0x380] =	vst v3;
	v3 =	vshrl.u32 v8, $0x2;
	v4 =	vld [tilespmem:$0x1F0]  }
0x65: {  	[tilespmem:$0x390] =	vst v3;
	v3 =	vshrl.u32 v9, $0x2  }
0x66: {  	[tilespmem:$0x310] =	vst v5;
	v5 =	vshrl.u32 v6, $0x2  }
.LBB2_3:
0x67: {  	[tilespmem:$0x3C0] =	vst @p0 v5  }
0x68: {  	[tilespmem:$0x300] =	vst @p0 v0  }
0x69: {  	[tilespmem:$0x3B0] =	vst @p0 v3;
	v0 =	vshrl.u32 @p0 v2, $0x2  }
0x6a: {  	[tilespmem:$0x3E0] =	vst @p0 v0;
	v0 =	vshrl.u32 @p0 v4, $0x2  }
0x6b: {  	[tilespmem:$0x3F0] =	vst @p0 v0;
	v0 =	vshrl.u32 @p0 v1, $0x2  }
0x6c: {  	[tilespmem:$0x3D0] =	vst @p0 v0  }
0x6d: {  	[tilespmem:s6], [sflag:$0x1] =	stream.indirect.gather @p0 [hbm4b:s3+s7], $0x80, s7, s7, $0xb8;
	[tilespmem:$0x10400] =	vst v63  }
0x6e: {  	_ =	swait.ge @p0 [sflag:s8], $0x10000  }
0x6f: {  	[sflag:s8] =	ssyncset.done @p0 $0x0  }
0x70: {  	[sflag:s8] =	ssyncadd.s32 @p0 $0xFFFF0000  }
0x71: {  	[hbm4b:s5+s2] =	stream.linear.scatter @p0 [tilespmem:s6], [sflag:$0x2], $0x10000, $0x38;
	[tilespmem:$0x10400] =	vst v63  }
0x72: {  	_ =	swait.ge @p0 [sflag:s4], $0x10000  }
0x73: {  	[sflag:s4] =	ssyncset.done @p0 $0x0  }
0x74: {  	[sflag:s4] =	ssyncadd.s32 @p0 $0xFFFF0000  }
0x75: {  	[tilespmem:s2], [sflag:$0x2] =	stream.linear.gather [hbm4b:s9+s2], $0x200, $0x38;
	[tilespmem:$0x10400] =	vst v63  }
0x76: {  	_ =	swait.ge [sflag:s4], $0x200  }
0x77: {  	[sflag:s4] =	ssyncset.done $0x0  }
0x78: {  	[sflag:s4] =	ssyncadd.s32 $0xFFFFFE00  }
0x79: {  	v16 =	vld [tilespmem:$0x40]  }
0x7a: {  	v17 =	vld [tilespmem:$0x1A0]  }
0x7b: {  	v18 =	vld [tilespmem:$0x50]  }
0x7c: {  	v19 =	vld [tilespmem:$0x60]  }
0x7d: {  	v20 =	vld [tilespmem:$0x0]  }
0x7e: {  	v21 =	vld [tilespmem:$0xF0];
	v0 =	vshrl.u32 v16, $0x2  }
0x7f: {  	v23 =	vld [tilespmem:$0x90];
	v1 =	vshrl.u32 v17, $0x2;
	[tilespmem:$0x240] =	vst v0  }
0x80: {  	v6 =	vld [tilespmem:$0x160];
	v2 =	vshrl.u32 v18, $0x2;
	[tilespmem:$0x3A0] =	vst v1  }
0x81: {  	v25 =	vld [tilespmem:$0x10];
	v3 =	vshrl.u32 v19, $0x2;
	[tilespmem:$0x250] =	vst v2  }
0x82: {  	v27 =	vld [tilespmem:$0xA0];
	v24 =	vshrl.u32 v20, $0x2;
	[tilespmem:$0x260] =	vst v3  }
0x83: {  	v28 =	vld [tilespmem:$0x80];
	v26 =	vshrl.u32 v21, $0x2;
	[tilespmem:$0x200] =	vst v24  }
0x84: {  	v29 =	vld [tilespmem:$0xE0];
	v30 =	vshrl.u32 v23, $0x2;
	[tilespmem:$0x2F0] =	vst v26  }
0x85: {  	v32 =	vld [tilespmem:$0xB0];
	v31 =	vshrl.u32 v6, $0x2;
	[tilespmem:$0x290] =	vst v30  }
0x86: {  	v40 =	vld [tilespmem:$0x130];
	v33 =	vshrl.u32 v25, $0x2;
	[tilespmem:$0x360] =	vst v31  }
0x87: {  	v41 =	vld [tilespmem:$0x140];
	v5 =	vshrl.u32 v27, $0x2;
	[tilespmem:$0x210] =	vst v33  }
0x88: {  	v43 =	vld [tilespmem:$0x150];
	v36 =	vshrl.u32 v28, $0x2;
	[tilespmem:$0x2A0] =	vst v5  }
0x89: {  	v44 =	vld [tilespmem:$0x170];
	v4 =	vshrl.u32 v29, $0x2;
	[tilespmem:$0x280] =	vst v36  }
0x8a: {  	v46 =	vld [tilespmem:$0x180];
	v39 =	vshrl.u32 v32, $0x2;
	[tilespmem:$0x2E0] =	vst v4  }
0x8b: {  	v48 =	vld [tilespmem:$0x190];
	v45 =	vshrl.u32 v40, $0x2;
	[tilespmem:$0x2B0] =	vst v39  }
0x8c: {  	v49 =	vld [tilespmem:$0x110];
	v47 =	vshrl.u32 v41, $0x2;
	[tilespmem:$0x330] =	vst v45  }
0x8d: {  	v55 =	vld [tilespmem:$0x1E0];
	v50 =	vshrl.u32 v43, $0x2;
	[tilespmem:$0x340] =	vst v47  }
0x8e: {  	v57 =	vld [tilespmem:$0x1F0];
	v53 =	vshrl.u32 v44, $0x2;
	[tilespmem:$0x350] =	vst v50  }
0x8f: {  	v59 =	vld [tilespmem:$0x1B0];
	v54 =	vshrl.u32 v46, $0x2;
	[tilespmem:$0x370] =	vst v53  }
0x90: {  	v22 =	vld [tilespmem:$0x70];
	v56 =	vshrl.u32 v48, $0x2;
	[tilespmem:$0x380] =	vst v54  }
0x91: {  	v34 =	vld [tilespmem:$0x20];
	v58 =	vshrl.u32 v49, $0x2;
	[tilespmem:$0x390] =	vst v56  }
0x92: {  	v35 =	vld [tilespmem:$0xD0];
	v61 =	vshrl.u32 v55, $0x2;
	[tilespmem:$0x310] =	vst v58  }
0x93: {  	v37 =	vld [tilespmem:$0xC0];
	v62 =	vshrl.u32 v57, $0x2;
	[tilespmem:$0x3E0] =	vst v61  }
0x94: {  	v38 =	vld [tilespmem:$0x120];
	v63 =	vshrl.u32 v59, $0x2;
	[tilespmem:$0x3F0] =	vst v62  }
0x95: {  	v42 =	vld [tilespmem:$0x30];
	v0 =	vshrl.u32 v22, $0x2;
	[tilespmem:$0x3B0] =	vst v63  }
0x96: {  	v51 =	vld [tilespmem:$0x1C0];
	v3 =	vshrl.u32 v34, $0x2;
	[tilespmem:$0x270] =	vst v0  }
0x97: {  	v52 =	vld [tilespmem:$0x100];
	v1 =	vshrl.u32 v35, $0x2;
	[tilespmem:$0x220] =	vst v3  }
0x98: {  	v60 =	vld [tilespmem:$0x1D0];
	v2 =	vshrl.u32 v37, $0x2;
	[tilespmem:$0x2D0] =	vst v1  }
0x99: {  	[tilespmem:$0x2C0] =	vst v2;
	v0 =	vshrl.u32 v38, $0x2  }
0x9a: {  	v3 =	vshrl.u32 v42, $0x2;
	[tilespmem:$0x320] =	vst v0  }
0x9b: {  	v1 =	vshrl.u32 v51, $0x2;
	[tilespmem:$0x230] =	vst v3  }
0x9c: {  	v3 =	vshrl.u32 v52, $0x2;
	[tilespmem:$0x3C0] =	vst v1  }
0x9d: {  	v0 =	vshrl.u32 v60, $0x2;
	[tilespmem:$0x300] =	vst v3  }
0x9e: {  	[tilespmem:$0x3D0] =	vst v0  }
0x9f: {  	[tilespmem:s6], [sflag:$0x1] =	stream.indirect.gather [hbm4b:s3+s7], $0x80, s7, s7, $0xb8;
	[tilespmem:$0x10400] =	vst v63  }
0xa0: {  	_ =	swait.ge [sflag:s8], $0x10000  }
0xa1: {  	[sflag:s8] =	ssyncset.done $0x0  }
0xa2: {  	[sflag:s8] =	ssyncadd.s32 $0xFFFF0000  }
0xa3: {  	[hbm4b:s5+s2] =	stream.linear.scatter [tilespmem:s6], [sflag:$0x2], $0x10000, $0x38;
	[tilespmem:$0x10400] =	vst v63  }
0xa4: {  	_ =	swait.ge [sflag:s4], $0x10000  }
0xa5: {  	[sflag:s4] =	ssyncset.done $0x0  }
0xa6: {  	[sflag:s4] =	ssyncadd.s32 $0xFFFF0000  }
0xa7: {  	_ =	sfence.sel $0x180000  }
0xa8: {  	[bflag:$0x0] =	sbarrier.arrive $0xFFFF  }
0xa9: {  	p0 =	sne.s32 s1, $0x0;
	_ =	strace $0x90000047  }
0xaa: {  	s0 =	sadd.s32 @!p0 $0x100000, s0;
	[bflag:$0x2] =	sbarrier.arrive $0xFFFF  }
0xab: {  	[sflag:s0] =	ssyncadd.tile.s32 @!p0 $0x1;
	_ =	shalt  }
.Lfunc_end2:
_tile_overlayer_lowered:
.L_overlay_start_2:
0xac: {  	(tag) =	ssettag $0x2  }
0xad: {  	s0 =	rddreg [dreg:$0x0];
	s2 =	stileid.u32  }
0xae: {  	s1 =	rddreg [dreg:$0x1];
	p0 =	sne.s32 s2, $0x0  }
0xaf: {  	s3 =	rddreg [dreg:$0x2];
	[bflag:$0x3] =	sbarrier.arrive $0xFFFF;
	s2 =	simm.s32 @!p0 $0x1C02  }
0xb0: {  	[timem:s3], [sflag:s2] =	dma.local @!p0 [hbm:s0], s1  }
0xb1: {  	s0 =	simm.s32 @!p0 $0x2  }
0xb2: {  	_ =	swait.ge @!p0 [sflag:s0], s1  }
0xb3: {  	s1 =	ssub.s32 @!p0 $0x0, s1;
	[sflag:s0] =	ssyncset.done @!p0 $0x0  }
0xb4: {  	[sflag:s0] =	ssyncadd.s32 @!p0 s1  }
0xb5: {  	[bflag:$0x3] =	sbarrier.arrive $0xFFFF  }
0xb6: {  	_ =	shalt  }

</sc_bundles>
